<compile_context>
chip_gen: v7x
topology: tpu7x:2x2x1
jax: 0.10.2.dev20260603
libtpu: 0.0.44.dev20260713+nightly
codegen_flags: <defaults>
</compile_context>

<pallas_src>
import functools

import jax
import jax.numpy as jnp
import numpy as np
from jax import lax
from jax.experimental import pallas as pl
from jax.experimental.pallas import tpu as pltpu
from jax.experimental.pallas import tpu_sc as plsc

N = 10000
E = 320000
D = 128
G = 256

NC = 2
NS = 16
NCU = 2
K = 64
EPW = 10240
EPAD = EPW * NC * NS
CHW = EPAD // K // (NCU * NS)
IB = 16
NIBW = CHW // IB
TPR = 632
NROWS = TPR * NS

R = 5
S = 3
F = 4

RB = 400
NBLK = N // RB

_CM = np.zeros(D, np.int32)
for _g in range(4):
    for _j in range(16):
        _CM[32 * _g + 2 * _j] = 32 * _g + _j
        _CM[32 * _g + 2 * _j + 1] = 32 * _g + 16 + _j
_PM = np.zeros((D, D), np.float32)
for _p in range(D):
    _PM[_CM[_p], _p] = 1.0


def _sc_agg_body(table_hbm, src_hbm, dst_hbm, zrows_hbm, out_hbm,
                 sidx, didx, rows_bf, rows_f32, agg_sh,
                 zsem, gsem, ssem, isem):
    c = lax.axis_index("c")
    s = lax.axis_index("s")
    zdesc = pltpu.async_copy(zrows_hbm, agg_sh.at[pl.ds(s * TPR, TPR)], zsem)
    base_row = pl.multiple_of((c * NS + s) * CHW, 8)
    pltpu.sync_copy(src_hbm.at[pl.ds(base_row, IB)], sidx.at[0])
    pltpu.sync_copy(dst_hbm.at[pl.ds(base_row, IB)], didx.at[0])
    for t in range(F):
        pltpu.async_copy(table_hbm.at[sidx.at[0, t]], rows_bf.at[t], gsem)
    zdesc.wait()
    plsc.subcore_barrier()

    def gdrain():
        pltpu.make_async_copy(table_hbm.at[pl.ds(0, K)], rows_bf.at[0],
                              gsem).wait()

    def sdrain():
        pltpu.make_async_copy(out_hbm.at[0, pl.ds(0, K)], rows_f32.at[0],
                              ssem).wait()

    def body(t, _):
        blk = t // IB
        r_in = t % IB
        nxt_ok = blk + 1 < NIBW

        @pl.when(jnp.logical_and(r_in == 0, nxt_ok))
        def _():
            nxt = (blk + 1) % 2
            row0 = pl.multiple_of(base_row + (blk + 1) * IB, 8)
            pltpu.async_copy(src_hbm.at[pl.ds(row0, IB)], sidx.at[nxt], isem)
            pltpu.async_copy(dst_hbm.at[pl.ds(row0, IB)], didx.at[nxt], isem)

        @pl.when(jnp.logical_and(r_in == IB - F - 1, nxt_ok))
        def _():
            for ref in (sidx, didx):
                pltpu.make_async_copy(src_hbm.at[pl.ds(base_row, IB)],
                                      ref.at[0], isem).wait()

        gdrain()
        sb = lax.rem(t, S)

        @pl.when(t >= S)
        def _():
            sdrain()

        b4 = lax.rem(t, R)

        def conv(r, _):
            for g in range(4):
                w = rows_bf[b4, r, pl.ds(g * 16, 16)]
                lo = lax.bitcast_convert_type(w << 16, jnp.float32)
                hi = lax.bitcast_convert_type(w & jnp.int32(-65536),
                                              jnp.float32)
                rows_f32[sb, r, pl.ds(g * 32, 16)] = lo
                rows_f32[sb, r, pl.ds(g * 32 + 16, 16)] = hi
            return 0

        lax.fori_loop(0, K, conv, 0)

        cur = lax.rem(blk, 2)
        pltpu.async_copy(rows_f32.at[sb], agg_sh.at[didx.at[cur, r_in]],
                         ssem, add=True)

        @pl.when(t + F < CHW)
        def _():
            tf = t + F
            pltpu.async_copy(table_hbm.at[sidx.at[lax.rem(tf // IB, 2),
                                                  lax.rem(tf, IB)]],
                             rows_bf.at[lax.rem(tf, R)], gsem)
        return 0

    lax.fori_loop(0, CHW, body, 0)
    for _ in range(S):
        sdrain()
    plsc.subcore_barrier()
    pltpu.sync_copy(agg_sh.at[pl.ds(s * TPR, TPR)],
                    out_hbm.at[c, pl.ds(s * TPR, TPR)])


_sc_agg = functools.partial(
    pl.kernel,
    out_type=jax.ShapeDtypeStruct((NCU, NROWS, D), jnp.float32),
    mesh=plsc.VectorSubcoreMesh(core_axis_name="c", subcore_axis_name="s",
                                num_cores=NCU),
    compiler_params=pltpu.CompilerParams(use_tc_tiling_on_sc=False),
    scratch_types=[
        pltpu.VMEM((2, IB, K), jnp.int32),
        pltpu.VMEM((2, IB, K), jnp.int32),
        pltpu.VMEM((R, K, D // 2), jnp.int32),
        pltpu.VMEM((S, K, D), jnp.float32),
        pltpu.VMEM_SHARED((NROWS, D), jnp.float32),
        pltpu.SemaphoreType.DMA,
        pltpu.SemaphoreType.DMA,
        pltpu.SemaphoreType.DMA,
        pltpu.SemaphoreType.DMA,
    ],
)(_sc_agg_body)


def _tc_layer1_body(p_ref, x_ref, wrel_ref, wroot_ref, b_ref, pm_ref, h_ref):
    agg = p_ref[0] + p_ref[1]
    h = (jnp.dot(agg, wrel_ref[...], preferred_element_type=jnp.float32)
         + jnp.dot(x_ref[...], wroot_ref[...],
                   preferred_element_type=jnp.float32)
         + b_ref[...])
    h = jnp.maximum(h, 0.0)
    hsw = jnp.dot(h, pm_ref[...], preferred_element_type=jnp.float32)
    h_ref[...] = hsw.astype(jnp.bfloat16)


def _tc_layer1(p, x, wrelp, wroot, b2d, pm):
    return pl.pallas_call(
        _tc_layer1_body,
        grid=(NBLK,),
        in_specs=[
            pl.BlockSpec((NCU, RB, D), lambda i: (0, i, 0)),
            pl.BlockSpec((RB, D), lambda i: (i, 0)),
            pl.BlockSpec((D, D), lambda i: (0, 0)),
            pl.BlockSpec((D, D), lambda i: (0, 0)),
            pl.BlockSpec((1, D), lambda i: (0, 0)),
            pl.BlockSpec((D, D), lambda i: (0, 0)),
        ],
        out_specs=pl.BlockSpec((RB, D), lambda i: (i, 0)),
        out_shape=jax.ShapeDtypeStruct((N, D), jnp.bfloat16),
    )(p, x, wrelp, wroot, b2d, pm)


def _tc_layer2_body(p_ref, h_ref, wrel_ref, wroot_ref, b_ref, batch_ref,
                    out_ref, acc, cnt):
    i = pl.program_id(0)
    agg = p_ref[0] + p_ref[1]
    h2 = (jnp.dot(agg, wrel_ref[...], preferred_element_type=jnp.float32)
          + jnp.dot(h_ref[...], wroot_ref[...],
                    preferred_element_type=jnp.float32)
          + b_ref[...])
    h2 = jnp.maximum(h2, 0.0)

    seg = batch_ref[0, 0, :]
    gid = lax.broadcasted_iota(jnp.int32, (RB, G), 1)
    onehot = jnp.where(seg[:, None] == gid, 1.0, 0.0)
    psum = lax.dot_general(onehot, h2, (((0,), (0,)), ((), ())),
                           preferred_element_type=jnp.float32)
    pcnt = jnp.sum(onehot, axis=0)[None, :]

    @pl.when(i == 0)
    def _():
        acc[...] = psum
        cnt[...] = pcnt

    @pl.when(i > 0)
    def _():
        acc[...] += psum
        cnt[...] += pcnt

    @pl.when(i == NBLK - 1)
    def _():
        denom = jnp.maximum(cnt[...], 1.0)
        out_ref[...] = acc[...] / denom[0, :, None]


def _tc_layer2(p, h, wrelp, wrootp, b2d, batch3):
    return pl.pallas_call(
        _tc_layer2_body,
        grid=(NBLK,),
        in_specs=[
            pl.BlockSpec((NCU, RB, D), lambda i: (0, i, 0)),
            pl.BlockSpec((RB, D), lambda i: (i, 0)),
            pl.BlockSpec((D, D), lambda i: (0, 0)),
            pl.BlockSpec((D, D), lambda i: (0, 0)),
            pl.BlockSpec((1, D), lambda i: (0, 0)),
            pl.BlockSpec((1, 1, RB), lambda i: (i, 0, 0)),
        ],
        out_specs=pl.BlockSpec((G, D), lambda i: (0, 0)),
        out_shape=jax.ShapeDtypeStruct((G, D), jnp.float32),
        scratch_shapes=[
            pltpu.VMEM((G, D), jnp.float32),
            pltpu.VMEM((1, G), jnp.float32),
        ],
        compiler_params=pltpu.CompilerParams(
            dimension_semantics=("arbitrary",),
        ),
    )(p, h, wrelp, wrootp, b2d, batch3)


def _pack_i32(a_bf16):
    return lax.bitcast_convert_type(
        a_bf16.reshape(a_bf16.shape[0], D // 2, 2), jnp.int32)


def kernel(x, edge_index, batch, W_rel1, b_rel1, W_root1, W_rel2, b_rel2,
           W_root2):
    cm = jnp.asarray(_CM)
    pm = jnp.asarray(_PM)
    src = edge_index[0]
    dst = edge_index[1]
    npad = EPAD - E
    src_p = jnp.concatenate([src, jnp.zeros((npad,), jnp.int32)])
    src_p = src_p.reshape(EPAD // K, K)
    trash = N + (jnp.arange(npad, dtype=jnp.int32) % (NROWS - N))
    dst_p = jnp.concatenate([dst, trash]).reshape(EPAD // K, K)
    zrows = jnp.zeros((TPR, D), jnp.float32)
    b1 = b_rel1.reshape(1, D)
    b2 = b_rel2.reshape(1, D)
    batch3 = batch.reshape(NBLK, 1, RB)

    wroot2p = W_root2[cm, :].astype(jnp.bfloat16)

    xsw = _pack_i32(x[:, cm].astype(jnp.bfloat16))
    p1 = _sc_agg(xsw, src_p, dst_p, zrows)
    hsw = _tc_layer1(p1, x, W_rel1, W_root1, b1, pm)
    p2 = _sc_agg(_pack_i32(hsw), src_p, dst_p, zrows)
    out = _tc_layer2(p2, hsw, W_rel2, wroot2p, b2, batch3)
    return out

# --- scband reference (transcript-rebuilt; emitter-appended) ---
"""Pipeline reference for scband-node-convolution-10986526343835 (READ-ONLY COPY).

The authoritative reference and input builder live on the scoring server;
editing this copy changes nothing except your own understanding.
"""

import jax, jax.numpy as jnp
import numpy as np

N = 10000
E = 320000
D = 128
G = 256

def setup_inputs(seed: int = 0) -> dict:
    key = jax.random.key(seed)
    ks = jax.random.split(key, 9)
    x = jax.random.normal(ks[0], (N, D), dtype=jnp.float32)
    edge_index = jax.random.randint(ks[1], (2, E), 0, N, dtype=jnp.int32)
    batch = jnp.sort(jax.random.randint(ks[2], (N,), 0, G, dtype=jnp.int32))
    s = 1.0 / np.sqrt(D)
    W_rel1 = jax.random.uniform(ks[3], (D, D), dtype=jnp.float32, minval=-s, maxval=s)
    b_rel1 = jnp.zeros((D,), dtype=jnp.float32)
    W_root1 = jax.random.uniform(ks[4], (D, D), dtype=jnp.float32, minval=-s, maxval=s)
    W_rel2 = jax.random.uniform(ks[5], (D, D), dtype=jnp.float32, minval=-s, maxval=s)
    b_rel2 = jnp.zeros((D,), dtype=jnp.float32)
    W_root2 = jax.random.uniform(ks[6], (D, D), dtype=jnp.float32, minval=-s, maxval=s)
    return {"x": x, "edge_index": edge_index, "batch": batch,
            "W_rel1": W_rel1, "b_rel1": b_rel1, "W_root1": W_root1,
            "W_rel2": W_rel2, "b_rel2": b_rel2, "W_root2": W_root2}

def reference(x, edge_index, batch, W_rel1, b_rel1, W_root1, W_rel2, b_rel2, W_root2):
    # GraphConv layer 1: out[i] = lin_rel(sum_{j->i} x[j]) + lin_root(x[i])
    src = edge_index[0]
    dst = edge_index[1]
    agg1 = jax.ops.segment_sum(jnp.take(x, src, axis=0), dst, num_segments=N)
    h = agg1 @ W_rel1 + b_rel1 + x @ W_root1
    h = jax.nn.relu(h)
    # GraphConv layer 2
    agg2 = jax.ops.segment_sum(jnp.take(h, src, axis=0), dst, num_segments=N)
    h2 = agg2 @ W_rel2 + b_rel2 + h @ W_root2
    h2 = jax.nn.relu(h2)
    # global_mean_pool over batch segment ids
    sums = jax.ops.segment_sum(h2, batch, num_segments=G)
    counts = jax.ops.segment_sum(jnp.ones((N,), dtype=jnp.float32), batch, num_segments=G)
    out = sums / jnp.maximum(counts, 1.0)[:, None]
    return out

if __name__ == "__main__":
    import jax
    _d = setup_inputs()
    print(jax.jit(kernel)(*tuple(_d.values())))

</pallas_src>

<mosaic_0001>
#map = affine_map<(d0, d1) -> (0, 0)>
#map1 = affine_map<(d0, d1) -> (0, 0, 0)>
module attributes {stable_mosaic.version = 14 : i64} {
  func.func @_sc_agg_body(%arg0: i32, %arg1: i32, %arg2: memref<10000x64xi32, #tpu.memory_space<hbm>>, %arg3: memref<5120x64xi32, #tpu.memory_space<hbm>>, %arg4: memref<5120x64xi32, #tpu.memory_space<hbm>>, %arg5: memref<632x128xf32, #tpu.memory_space<hbm>>, %arg6: memref<2x10112x128xf32, #tpu.memory_space<hbm>>, %arg7: memref<2x16x64xi32, #tpu.memory_space<vmem>>, %arg8: memref<2x16x64xi32, #tpu.memory_space<vmem>>, %arg9: memref<5x64x64xi32, #tpu.memory_space<vmem>>, %arg10: memref<3x64x128xf32, #tpu.memory_space<vmem>>, %arg11: memref<10112x128xf32, #tpu.memory_space<vmem_shared>>, %arg12: memref<!tpu.dma_semaphore, #tpu.memory_space<semaphore_mem>>, %arg13: memref<!tpu.dma_semaphore, #tpu.memory_space<semaphore_mem>>, %arg14: memref<!tpu.dma_semaphore, #tpu.memory_space<semaphore_mem>>, %arg15: memref<!tpu.dma_semaphore, #tpu.memory_space<semaphore_mem>>) attributes {dimension_semantics = [#tpu.dimension_semantics<core_parallel>, #tpu.dimension_semantics<subcore_parallel>], iteration_bounds = array<i64: 2, 16>, scalar_prefetch = 0 : i64, scratch_operands = 9 : i64, tpu.core_type = #tpu.core_type<sc_vector_subcore>, window_params = [{transform_indices = #map}, {transform_indices = #map}, {transform_indices = #map}, {transform_indices = #map}, {transform_indices = #map1}]} {
    %mul3A = arith.constant 632 : i32
    %mul3A_0 = arith.muli %arg1, %mul3A : i32
    %dma_start3A = arith.constant 0 : i32
    %dma_start3A_1 = tpu.memref_slice %arg11[%mul3A_0, %dma_start3A] : memref<10112x128xf32, #tpu.memory_space<vmem_shared>> -> memref<632x128xf32, #tpu.memory_space<vmem_shared>>
    tpu.enqueue_dma source(%arg5 : memref<632x128xf32, #tpu.memory_space<hbm>>) target(%dma_start3A_1 : memref<632x128xf32, #tpu.memory_space<vmem_shared>>) target_semaphore(%arg12 : memref<!tpu.dma_semaphore, #tpu.memory_space<semaphore_mem>>)
    %mul3A_2 = arith.constant 16 : i32
    %mul3A_3 = arith.muli %arg0, %mul3A_2 : i32
    %add3A = arith.addi %mul3A_3, %arg1 : i32
    %mul3A_4 = arith.constant 160 : i32
    %mul3A_5 = arith.muli %add3A, %mul3A_4 : i32
    %multiple_of3A = tpu.assume_multiple %mul3A_5, 8 : i32
    %run_scoped3A = arith.constant 0 : i32
    "tpu.region"() ({
      %run_scoped3A_125 = tpu.sem_alloc : memref<!tpu.dma_semaphore, #tpu.memory_space<semaphore_mem>>
      %dma_start3A_126 = arith.constant 0 : i32
      %dma_start3A_127 = arith.constant 0 : i32
      %dma_start3A_128 = tpu.memref_slice %arg7[%run_scoped3A, %dma_start3A_126, %dma_start3A_127] : memref<2x16x64xi32, #tpu.memory_space<vmem>> -> memref<1x16x64xi32, #tpu.memory_space<vmem>>
      %dma_start3A_129 = tpu.memref_squeeze %dma_start3A_128 : memref<1x16x64xi32, #tpu.memory_space<vmem>> -> memref<16x64xi32, #tpu.memory_space<vmem>>
      %dma_start3A_130 = arith.constant 0 : i32
      %dma_start3A_131 = tpu.memref_slice %arg3[%multiple_of3A, %dma_start3A_130] : memref<5120x64xi32, #tpu.memory_space<hbm>> -> memref<16x64xi32, #tpu.memory_space<hbm>>
      %dma_start3A_132 = arith.constant 0 : i32
      %dma_start3A_133 = arith.constant 0 : i32
      %dma_start3A_134 = tpu.memref_slice %arg7[%run_scoped3A, %dma_start3A_132, %dma_start3A_133] : memref<2x16x64xi32, #tpu.memory_space<vmem>> -> memref<1x16x64xi32, #tpu.memory_space<vmem>>
      %dma_start3A_135 = tpu.memref_squeeze %dma_start3A_134 : memref<1x16x64xi32, #tpu.memory_space<vmem>> -> memref<16x64xi32, #tpu.memory_space<vmem>>
      %dma_start3A_136 = arith.constant 0 : i32
      %dma_start3A_137 = tpu.memref_slice %arg3[%multiple_of3A, %dma_start3A_136] : memref<5120x64xi32, #tpu.memory_space<hbm>> -> memref<16x64xi32, #tpu.memory_space<hbm>>
      tpu.enqueue_dma source(%dma_start3A_137 : memref<16x64xi32, #tpu.memory_space<hbm>>) target(%dma_start3A_135 : memref<16x64xi32, #tpu.memory_space<vmem>>) target_semaphore(%run_scoped3A_125 : memref<!tpu.dma_semaphore, #tpu.memory_space<semaphore_mem>>)
      %dma_wait3A_138 = arith.constant 0 : i32
      %dma_wait3A_139 = arith.constant 0 : i32
      %dma_wait3A_140 = tpu.memref_slice %arg7[%run_scoped3A, %dma_wait3A_138, %dma_wait3A_139] : memref<2x16x64xi32, #tpu.memory_space<vmem>> -> memref<1x16x64xi32, #tpu.memory_space<vmem>>
      %dma_wait3A_141 = tpu.memref_squeeze %dma_wait3A_140 : memref<1x16x64xi32, #tpu.memory_space<vmem>> -> memref<16x64xi32, #tpu.memory_space<vmem>>
      %dma_wait3A_142 = arith.constant 0 : i32
      %dma_wait3A_143 = tpu.memref_slice %arg3[%multiple_of3A, %dma_wait3A_142] : memref<5120x64xi32, #tpu.memory_space<hbm>> -> memref<16x64xi32, #tpu.memory_space<hbm>>
      %dma_wait3A_144 = arith.constant 0 : i32
      %dma_wait3A_145 = arith.constant 0 : i32
      %dma_wait3A_146 = tpu.memref_slice %arg7[%run_scoped3A, %dma_wait3A_144, %dma_wait3A_145] : memref<2x16x64xi32, #tpu.memory_space<vmem>> -> memref<1x16x64xi32, #tpu.memory_space<vmem>>
      %dma_wait3A_147 = tpu.memref_squeeze %dma_wait3A_146 : memref<1x16x64xi32, #tpu.memory_space<vmem>> -> memref<16x64xi32, #tpu.memory_space<vmem>>
      %dma_wait3A_148 = arith.constant 0 : i32
      %dma_wait3A_149 = tpu.memref_slice %arg3[%multiple_of3A, %dma_wait3A_148] : memref<5120x64xi32, #tpu.memory_space<hbm>> -> memref<16x64xi32, #tpu.memory_space<hbm>>
      tpu.wait_dma2 semaphore(%run_scoped3A_125 : memref<!tpu.dma_semaphore, #tpu.memory_space<semaphore_mem>>) src(%dma_wait3A_149 : memref<16x64xi32, #tpu.memory_space<hbm>>) dst(%dma_wait3A_147 : memref<16x64xi32, #tpu.memory_space<vmem>>)
      tpu.yield
    }) : () -> ()
    %run_scoped3A_6 = arith.constant 0 : i32
    "tpu.region"() ({
      %run_scoped3A_125 = tpu.sem_alloc : memref<!tpu.dma_semaphore, #tpu.memory_space<semaphore_mem>>
      %dma_start3A_126 = arith.constant 0 : i32
      %dma_start3A_127 = arith.constant 0 : i32
      %dma_start3A_128 = tpu.memref_slice %arg8[%run_scoped3A_6, %dma_start3A_126, %dma_start3A_127] : memref<2x16x64xi32, #tpu.memory_space<vmem>> -> memref<1x16x64xi32, #tpu.memory_space<vmem>>
      %dma_start3A_129 = tpu.memref_squeeze %dma_start3A_128 : memref<1x16x64xi32, #tpu.memory_space<vmem>> -> memref<16x64xi32, #tpu.memory_space<vmem>>
      %dma_start3A_130 = arith.constant 0 : i32
      %dma_start3A_131 = tpu.memref_slice %arg4[%multiple_of3A, %dma_start3A_130] : memref<5120x64xi32, #tpu.memory_space<hbm>> -> memref<16x64xi32, #tpu.memory_space<hbm>>
      %dma_start3A_132 = arith.constant 0 : i32
      %dma_start3A_133 = arith.constant 0 : i32
      %dma_start3A_134 = tpu.memref_slice %arg8[%run_scoped3A_6, %dma_start3A_132, %dma_start3A_133] : memref<2x16x64xi32, #tpu.memory_space<vmem>> -> memref<1x16x64xi32, #tpu.memory_space<vmem>>
      %dma_start3A_135 = tpu.memref_squeeze %dma_start3A_134 : memref<1x16x64xi32, #tpu.memory_space<vmem>> -> memref<16x64xi32, #tpu.memory_space<vmem>>
      %dma_start3A_136 = arith.constant 0 : i32
      %dma_start3A_137 = tpu.memref_slice %arg4[%multiple_of3A, %dma_start3A_136] : memref<5120x64xi32, #tpu.memory_space<hbm>> -> memref<16x64xi32, #tpu.memory_space<hbm>>
      tpu.enqueue_dma source(%dma_start3A_137 : memref<16x64xi32, #tpu.memory_space<hbm>>) target(%dma_start3A_135 : memref<16x64xi32, #tpu.memory_space<vmem>>) target_semaphore(%run_scoped3A_125 : memref<!tpu.dma_semaphore, #tpu.memory_space<semaphore_mem>>)
      %dma_wait3A_138 = arith.constant 0 : i32
      %dma_wait3A_139 = arith.constant 0 : i32
      %dma_wait3A_140 = tpu.memref_slice %arg8[%run_scoped3A_6, %dma_wait3A_138, %dma_wait3A_139] : memref<2x16x64xi32, #tpu.memory_space<vmem>> -> memref<1x16x64xi32, #tpu.memory_space<vmem>>
      %dma_wait3A_141 = tpu.memref_squeeze %dma_wait3A_140 : memref<1x16x64xi32, #tpu.memory_space<vmem>> -> memref<16x64xi32, #tpu.memory_space<vmem>>
      %dma_wait3A_142 = arith.constant 0 : i32
      %dma_wait3A_143 = tpu.memref_slice %arg4[%multiple_of3A, %dma_wait3A_142] : memref<5120x64xi32, #tpu.memory_space<hbm>> -> memref<16x64xi32, #tpu.memory_space<hbm>>
      %dma_wait3A_144 = arith.constant 0 : i32
      %dma_wait3A_145 = arith.constant 0 : i32
      %dma_wait3A_146 = tpu.memref_slice %arg8[%run_scoped3A_6, %dma_wait3A_144, %dma_wait3A_145] : memref<2x16x64xi32, #tpu.memory_space<vmem>> -> memref<1x16x64xi32, #tpu.memory_space<vmem>>
      %dma_wait3A_147 = tpu.memref_squeeze %dma_wait3A_146 : memref<1x16x64xi32, #tpu.memory_space<vmem>> -> memref<16x64xi32, #tpu.memory_space<vmem>>
      %dma_wait3A_148 = arith.constant 0 : i32
      %dma_wait3A_149 = tpu.memref_slice %arg4[%multiple_of3A, %dma_wait3A_148] : memref<5120x64xi32, #tpu.memory_space<hbm>> -> memref<16x64xi32, #tpu.memory_space<hbm>>
      tpu.wait_dma2 semaphore(%run_scoped3A_125 : memref<!tpu.dma_semaphore, #tpu.memory_space<semaphore_mem>>) src(%dma_wait3A_149 : memref<16x64xi32, #tpu.memory_space<hbm>>) dst(%dma_wait3A_147 : memref<16x64xi32, #tpu.memory_space<vmem>>)
      tpu.yield
    }) : () -> ()
    %dma_start3A_7 = arith.constant 0 : i32
    %dma_start3A_8 = arith.constant 0 : i32
    %dma_start3A_9 = arith.constant 0 : i32
    %dma_start3A_10 = arith.constant 0 : i32
    %dma_start3A_11 = arith.constant 0 : i32
    %dma_start3A_12 = tpu.memref_slice %arg9[%dma_start3A_9, %dma_start3A_10, %dma_start3A_11] : memref<5x64x64xi32, #tpu.memory_space<vmem>> -> memref<1x64x64xi32, #tpu.memory_space<vmem>>
    %dma_start3A_13 = tpu.memref_squeeze %dma_start3A_12 : memref<1x64x64xi32, #tpu.memory_space<vmem>> -> memref<64x64xi32, #tpu.memory_space<vmem>>
    %dma_start3A_14 = arith.constant 0 : i32
    %dma_start3A_15 = tpu.memref_slice %arg7[%dma_start3A_7, %dma_start3A_8, %dma_start3A_14] : memref<2x16x64xi32, #tpu.memory_space<vmem>> -> memref<1x1x64xi32, #tpu.memory_space<vmem>>
    %dma_start3A_16 = tpu.memref_squeeze %dma_start3A_15 : memref<1x1x64xi32, #tpu.memory_space<vmem>> -> memref<64xi32, #tpu.memory_space<vmem>>
    %dma_start3A_17 = arith.constant 0 : i32
    %dma_start3A_18 = arith.constant 0 : i32
    %dma_start3A_19 = tpu.memref_slice %arg2[%dma_start3A_17, %dma_start3A_18] : memref<10000x64xi32, #tpu.memory_space<hbm>> -> memref<10000x64xi32, #tpu.memory_space<hbm>>
    tpu.enqueue_indirect_dma source(%dma_start3A_19 : memref<10000x64xi32, #tpu.memory_space<hbm>>) target(%dma_start3A_13 : memref<64x64xi32, #tpu.memory_space<vmem>>) offsets(%dma_start3A_16 : memref<64xi32, #tpu.memory_space<vmem>>) semaphore(%arg13 : memref<!tpu.dma_semaphore, #tpu.memory_space<semaphore_mem>>)
    %dma_start3A_20 = arith.constant 0 : i32
    %dma_start3A_21 = arith.constant 1 : i32
    %dma_start3A_22 = arith.constant 1 : i32
    %dma_start3A_23 = arith.constant 0 : i32
    %dma_start3A_24 = arith.constant 0 : i32
    %dma_start3A_25 = tpu.memref_slice %arg9[%dma_start3A_22, %dma_start3A_23, %dma_start3A_24] : memref<5x64x64xi32, #tpu.memory_space<vmem>> -> memref<1x64x64xi32, #tpu.memory_space<vmem>>
    %dma_start3A_26 = tpu.memref_squeeze %dma_start3A_25 : memref<1x64x64xi32, #tpu.memory_space<vmem>> -> memref<64x64xi32, #tpu.memory_space<vmem>>
    %dma_start3A_27 = arith.constant 0 : i32
    %dma_start3A_28 = tpu.memref_slice %arg7[%dma_start3A_20, %dma_start3A_21, %dma_start3A_27] : memref<2x16x64xi32, #tpu.memory_space<vmem>> -> memref<1x1x64xi32, #tpu.memory_space<vmem>>
    %dma_start3A_29 = tpu.memref_squeeze %dma_start3A_28 : memref<1x1x64xi32, #tpu.memory_space<vmem>> -> memref<64xi32, #tpu.memory_space<vmem>>
    %dma_start3A_30 = arith.constant 0 : i32
    %dma_start3A_31 = arith.constant 0 : i32
    %dma_start3A_32 = tpu.memref_slice %arg2[%dma_start3A_30, %dma_start3A_31] : memref<10000x64xi32, #tpu.memory_space<hbm>> -> memref<10000x64xi32, #tpu.memory_space<hbm>>
    tpu.enqueue_indirect_dma source(%dma_start3A_32 : memref<10000x64xi32, #tpu.memory_space<hbm>>) target(%dma_start3A_26 : memref<64x64xi32, #tpu.memory_space<vmem>>) offsets(%dma_start3A_29 : memref<64xi32, #tpu.memory_space<vmem>>) semaphore(%arg13 : memref<!tpu.dma_semaphore, #tpu.memory_space<semaphore_mem>>)
    %dma_start3A_33 = arith.constant 0 : i32
    %dma_start3A_34 = arith.constant 2 : i32
    %dma_start3A_35 = arith.constant 2 : i32
    %dma_start3A_36 = arith.constant 0 : i32
    %dma_start3A_37 = arith.constant 0 : i32
    %dma_start3A_38 = tpu.memref_slice %arg9[%dma_start3A_35, %dma_start3A_36, %dma_start3A_37] : memref<5x64x64xi32, #tpu.memory_space<vmem>> -> memref<1x64x64xi32, #tpu.memory_space<vmem>>
    %dma_start3A_39 = tpu.memref_squeeze %dma_start3A_38 : memref<1x64x64xi32, #tpu.memory_space<vmem>> -> memref<64x64xi32, #tpu.memory_space<vmem>>
    %dma_start3A_40 = arith.constant 0 : i32
    %dma_start3A_41 = tpu.memref_slice %arg7[%dma_start3A_33, %dma_start3A_34, %dma_start3A_40] : memref<2x16x64xi32, #tpu.memory_space<vmem>> -> memref<1x1x64xi32, #tpu.memory_space<vmem>>
    %dma_start3A_42 = tpu.memref_squeeze %dma_start3A_41 : memref<1x1x64xi32, #tpu.memory_space<vmem>> -> memref<64xi32, #tpu.memory_space<vmem>>
    %dma_start3A_43 = arith.constant 0 : i32
    %dma_start3A_44 = arith.constant 0 : i32
    %dma_start3A_45 = tpu.memref_slice %arg2[%dma_start3A_43, %dma_start3A_44] : memref<10000x64xi32, #tpu.memory_space<hbm>> -> memref<10000x64xi32, #tpu.memory_space<hbm>>
    tpu.enqueue_indirect_dma source(%dma_start3A_45 : memref<10000x64xi32, #tpu.memory_space<hbm>>) target(%dma_start3A_39 : memref<64x64xi32, #tpu.memory_space<vmem>>) offsets(%dma_start3A_42 : memref<64xi32, #tpu.memory_space<vmem>>) semaphore(%arg13 : memref<!tpu.dma_semaphore, #tpu.memory_space<semaphore_mem>>)
    %dma_start3A_46 = arith.constant 0 : i32
    %dma_start3A_47 = arith.constant 3 : i32
    %dma_start3A_48 = arith.constant 3 : i32
    %dma_start3A_49 = arith.constant 0 : i32
    %dma_start3A_50 = arith.constant 0 : i32
    %dma_start3A_51 = tpu.memref_slice %arg9[%dma_start3A_48, %dma_start3A_49, %dma_start3A_50] : memref<5x64x64xi32, #tpu.memory_space<vmem>> -> memref<1x64x64xi32, #tpu.memory_space<vmem>>
    %dma_start3A_52 = tpu.memref_squeeze %dma_start3A_51 : memref<1x64x64xi32, #tpu.memory_space<vmem>> -> memref<64x64xi32, #tpu.memory_space<vmem>>
    %dma_start3A_53 = arith.constant 0 : i32
    %dma_start3A_54 = tpu.memref_slice %arg7[%dma_start3A_46, %dma_start3A_47, %dma_start3A_53] : memref<2x16x64xi32, #tpu.memory_space<vmem>> -> memref<1x1x64xi32, #tpu.memory_space<vmem>>
    %dma_start3A_55 = tpu.memref_squeeze %dma_start3A_54 : memref<1x1x64xi32, #tpu.memory_space<vmem>> -> memref<64xi32, #tpu.memory_space<vmem>>
    %dma_start3A_56 = arith.constant 0 : i32
    %dma_start3A_57 = arith.constant 0 : i32
    %dma_start3A_58 = tpu.memref_slice %arg2[%dma_start3A_56, %dma_start3A_57] : memref<10000x64xi32, #tpu.memory_space<hbm>> -> memref<10000x64xi32, #tpu.memory_space<hbm>>
    tpu.enqueue_indirect_dma source(%dma_start3A_58 : memref<10000x64xi32, #tpu.memory_space<hbm>>) target(%dma_start3A_52 : memref<64x64xi32, #tpu.memory_space<vmem>>) offsets(%dma_start3A_55 : memref<64xi32, #tpu.memory_space<vmem>>) semaphore(%arg13 : memref<!tpu.dma_semaphore, #tpu.memory_space<semaphore_mem>>)
    %dma_wait3A = arith.constant 0 : i32
    %dma_wait3A_59 = tpu.memref_slice %arg11[%mul3A_0, %dma_wait3A] : memref<10112x128xf32, #tpu.memory_space<vmem_shared>> -> memref<632x128xf32, #tpu.memory_space<vmem_shared>>
    tpu.wait_dma2 semaphore(%arg12 : memref<!tpu.dma_semaphore, #tpu.memory_space<semaphore_mem>>) src(%arg5 : memref<632x128xf32, #tpu.memory_space<hbm>>) dst(%dma_wait3A_59 : memref<632x128xf32, #tpu.memory_space<vmem_shared>>)
    %barrier3A = arith.constant 0 : index
    tpu.barrier barrier_id(%barrier3A)
    %scan3A = arith.constant 0 : i32
    %scan3A_60 = arith.constant 0 : i32
    %scan3A_61 = arith.constant 160 : i32
    %scan3A_62 = arith.addi %scan3A_60, %scan3A_61 : i32
    %scan3A_63 = arith.constant 1 : i32
    %scan3A_64 = scf.for %scan3A_125 = %scan3A_60 to %scan3A_62 step %scan3A_63 iter_args(%scan3A_126 = %scan3A) -> (i32)  : i32 {
      %jit3A = arith.constant 16 : i32
      %div3A = arith.divsi %scan3A_125, %jit3A : i32
      %sign3A = arith.constant 0 : i32
      %sign3A_127 = arith.cmpi sgt, %scan3A_125, %sign3A : i32
      %sign3A_128 = arith.extui %sign3A_127 : i1 to i32
      %sign3A_129 = arith.constant 0 : i32
      %sign3A_130 = arith.cmpi slt, %scan3A_125, %sign3A_129 : i32
      %sign3A_131 = arith.extui %sign3A_130 : i1 to i32
      %sign3A_132 = arith.subi %sign3A_128, %sign3A_131 : i32
      %sign3A_133 = arith.constant 0 : i32
      %sign3A_134 = arith.cmpi sgt, %jit3A, %sign3A_133 : i32
      %sign3A_135 = arith.extui %sign3A_134 : i1 to i32
      %sign3A_136 = arith.constant 0 : i32
      %sign3A_137 = arith.cmpi slt, %jit3A, %sign3A_136 : i32
      %sign3A_138 = arith.extui %sign3A_137 : i1 to i32
      %sign3A_139 = arith.subi %sign3A_135, %sign3A_138 : i32
      %ne3A = arith.cmpi ne, %sign3A_132, %sign3A_139 : i32
      %rem3A = arith.remsi %scan3A_125, %jit3A : i32
      %ne3A_140 = arith.constant 0 : i32
      %ne3A_141 = arith.cmpi ne, %rem3A, %ne3A_140 : i32
      %and3A = arith.andi %ne3A, %ne3A_141 : i1
      %sub3A = arith.constant 1 : i32
      %sub3A_142 = arith.subi %div3A, %sub3A : i32
      %select_n3A = arith.select %and3A, %sub3A_142, %div3A : i32
      %jit3A_143 = arith.constant 16 : i32
      %eq3A = arith.constant 0 : i32
      %eq3A_144 = arith.cmpi eq, %jit3A_143, %eq3A : i32
      %jit3A_145 = arith.constant 1 : i32
      %select_n3A_146 = arith.select %eq3A_144, %jit3A_145, %jit3A_143 : i32
      %rem3A_147 = arith.remsi %scan3A_125, %select_n3A_146 : i32
      %ne3A_148 = arith.constant 0 : i32
      %ne3A_149 = arith.cmpi ne, %rem3A_147, %ne3A_148 : i32
      %lt3A = arith.constant 0 : i32
      %lt3A_150 = arith.cmpi slt, %rem3A_147, %lt3A : i32
      %lt3A_151 = arith.constant 0 : i32
      %lt3A_152 = arith.cmpi slt, %select_n3A_146, %lt3A_151 : i32
      %ne3A_153 = arith.xori %lt3A_150, %lt3A_152 : i1
      %and3A_154 = arith.andi %ne3A_153, %ne3A_149 : i1
      %add3A_155 = arith.addi %rem3A_147, %select_n3A_146 : i32
      %select_n3A_156 = arith.select %and3A_154, %add3A_155, %rem3A_147 : i32
      %add3A_157 = arith.constant 1 : i32
      %add3A_158 = arith.addi %select_n3A, %add3A_157 : i32
      %lt3A_159 = arith.constant 10 : i32
      %lt3A_160 = arith.cmpi slt, %add3A_158, %lt3A_159 : i32
      %eq3A_161 = arith.constant 0 : i32
      %eq3A_162 = arith.cmpi eq, %select_n3A_156, %eq3A_161 : i32
      %and3A_163 = arith.andi %eq3A_162, %lt3A_160 : i1
      %convert_element_type3A = arith.extui %and3A_163 : i1 to i32
      %cond3A = arith.constant 0 : i32
      %cond3A_164 = arith.cmpi ne, %convert_element_type3A, %cond3A : i32
      scf.if %cond3A_164 {
        %add3A_221 = arith.constant 1 : i32
        %add3A_222 = arith.addi %select_n3A, %add3A_221 : i32
        %jit3A_223 = arith.constant 2 : i32
        %eq3A_224 = arith.constant 0 : i32
        %eq3A_225 = arith.cmpi eq, %jit3A_223, %eq3A_224 : i32
        %jit3A_226 = arith.constant 1 : i32
        %select_n3A_227 = arith.select %eq3A_225, %jit3A_226, %jit3A_223 : i32
        %rem3A_228 = arith.remsi %add3A_222, %select_n3A_227 : i32
        %ne3A_229 = arith.constant 0 : i32
        %ne3A_230 = arith.cmpi ne, %rem3A_228, %ne3A_229 : i32
        %lt3A_231 = arith.constant 0 : i32
        %lt3A_232 = arith.cmpi slt, %rem3A_228, %lt3A_231 : i32
        %lt3A_233 = arith.constant 0 : i32
        %lt3A_234 = arith.cmpi slt, %select_n3A_227, %lt3A_233 : i32
        %ne3A_235 = arith.xori %lt3A_232, %lt3A_234 : i1
        %and3A_236 = arith.andi %ne3A_235, %ne3A_230 : i1
        %add3A_237 = arith.addi %rem3A_228, %select_n3A_227 : i32
        %select_n3A_238 = arith.select %and3A_236, %add3A_237, %rem3A_228 : i32
        %add3A_239 = arith.constant 1 : i32
        %add3A_240 = arith.addi %select_n3A, %add3A_239 : i32
        %mul3A_241 = arith.constant 16 : i32
        %mul3A_242 = arith.muli %add3A_240, %mul3A_241 : i32
        %add3A_243 = arith.addi %multiple_of3A, %mul3A_242 : i32
        %multiple_of3A_244 = tpu.assume_multiple %add3A_243, 8 : i32
        %dma_start3A_245 = arith.constant 0 : i32
        %dma_start3A_246 = arith.constant 0 : i32
        %dma_start3A_247 = tpu.memref_slice %arg7[%select_n3A_238, %dma_start3A_245, %dma_start3A_246] : memref<2x16x64xi32, #tpu.memory_space<vmem>> -> memref<1x16x64xi32, #tpu.memory_space<vmem>>
        %dma_start3A_248 = tpu.memref_squeeze %dma_start3A_247 : memref<1x16x64xi32, #tpu.memory_space<vmem>> -> memref<16x64xi32, #tpu.memory_space<vmem>>
        %dma_start3A_249 = arith.constant 0 : i32
        %dma_start3A_250 = tpu.memref_slice %arg3[%multiple_of3A_244, %dma_start3A_249] : memref<5120x64xi32, #tpu.memory_space<hbm>> -> memref<16x64xi32, #tpu.memory_space<hbm>>
        %dma_start3A_251 = arith.constant 0 : i32
        %dma_start3A_252 = arith.constant 0 : i32
        %dma_start3A_253 = tpu.memref_slice %arg7[%select_n3A_238, %dma_start3A_251, %dma_start3A_252] : memref<2x16x64xi32, #tpu.memory_space<vmem>> -> memref<1x16x64xi32, #tpu.memory_space<vmem>>
        %dma_start3A_254 = tpu.memref_squeeze %dma_start3A_253 : memref<1x16x64xi32, #tpu.memory_space<vmem>> -> memref<16x64xi32, #tpu.memory_space<vmem>>
        %dma_start3A_255 = arith.constant 0 : i32
        %dma_start3A_256 = tpu.memref_slice %arg3[%multiple_of3A_244, %dma_start3A_255] : memref<5120x64xi32, #tpu.memory_space<hbm>> -> memref<16x64xi32, #tpu.memory_space<hbm>>
        tpu.enqueue_dma source(%dma_start3A_256 : memref<16x64xi32, #tpu.memory_space<hbm>>) target(%dma_start3A_254 : memref<16x64xi32, #tpu.memory_space<vmem>>) target_semaphore(%arg15 : memref<!tpu.dma_semaphore, #tpu.memory_space<semaphore_mem>>)
        %dma_start3A_257 = arith.constant 0 : i32
        %dma_start3A_258 = arith.constant 0 : i32
        %dma_start3A_259 = tpu.memref_slice %arg8[%select_n3A_238, %dma_start3A_257, %dma_start3A_258] : memref<2x16x64xi32, #tpu.memory_space<vmem>> -> memref<1x16x64xi32, #tpu.memory_space<vmem>>
        %dma_start3A_260 = tpu.memref_squeeze %dma_start3A_259 : memref<1x16x64xi32, #tpu.memory_space<vmem>> -> memref<16x64xi32, #tpu.memory_space<vmem>>
        %dma_start3A_261 = arith.constant 0 : i32
        %dma_start3A_262 = tpu.memref_slice %arg4[%multiple_of3A_244, %dma_start3A_261] : memref<5120x64xi32, #tpu.memory_space<hbm>> -> memref<16x64xi32, #tpu.memory_space<hbm>>
        %dma_start3A_263 = arith.constant 0 : i32
        %dma_start3A_264 = arith.constant 0 : i32
        %dma_start3A_265 = tpu.memref_slice %arg8[%select_n3A_238, %dma_start3A_263, %dma_start3A_264] : memref<2x16x64xi32, #tpu.memory_space<vmem>> -> memref<1x16x64xi32, #tpu.memory_space<vmem>>
        %dma_start3A_266 = tpu.memref_squeeze %dma_start3A_265 : memref<1x16x64xi32, #tpu.memory_space<vmem>> -> memref<16x64xi32, #tpu.memory_space<vmem>>
        %dma_start3A_267 = arith.constant 0 : i32
        %dma_start3A_268 = tpu.memref_slice %arg4[%multiple_of3A_244, %dma_start3A_267] : memref<5120x64xi32, #tpu.memory_space<hbm>> -> memref<16x64xi32, #tpu.memory_space<hbm>>
        tpu.enqueue_dma source(%dma_start3A_268 : memref<16x64xi32, #tpu.memory_space<hbm>>) target(%dma_start3A_266 : memref<16x64xi32, #tpu.memory_space<vmem>>) target_semaphore(%arg15 : memref<!tpu.dma_semaphore, #tpu.memory_space<semaphore_mem>>)
      } else {
      }
      %eq3A_165 = arith.constant 11 : i32
      %eq3A_166 = arith.cmpi eq, %select_n3A_156, %eq3A_165 : i32
      %and3A_167 = arith.andi %eq3A_166, %lt3A_160 : i1
      %convert_element_type3A_168 = arith.extui %and3A_167 : i1 to i32
      %cond3A_169 = arith.constant 0 : i32
      %cond3A_170 = arith.cmpi ne, %convert_element_type3A_168, %cond3A_169 : i32
      scf.if %cond3A_170 {
        %dma_wait3A_221 = arith.constant 0 : i32
        %dma_wait3A_222 = arith.constant 0 : i32
        %dma_wait3A_223 = arith.constant 0 : i32
        %dma_wait3A_224 = tpu.memref_slice %arg7[%dma_wait3A_221, %dma_wait3A_222, %dma_wait3A_223] : memref<2x16x64xi32, #tpu.memory_space<vmem>> -> memref<1x16x64xi32, #tpu.memory_space<vmem>>
        %dma_wait3A_225 = tpu.memref_squeeze %dma_wait3A_224 : memref<1x16x64xi32, #tpu.memory_space<vmem>> -> memref<16x64xi32, #tpu.memory_space<vmem>>
        %dma_wait3A_226 = arith.constant 0 : i32
        %dma_wait3A_227 = tpu.memref_slice %arg3[%multiple_of3A, %dma_wait3A_226] : memref<5120x64xi32, #tpu.memory_space<hbm>> -> memref<16x64xi32, #tpu.memory_space<hbm>>
        %dma_wait3A_228 = arith.constant 0 : i32
        %dma_wait3A_229 = arith.constant 0 : i32
        %dma_wait3A_230 = tpu.memref_slice %arg7[%dma_wait3A_221, %dma_wait3A_228, %dma_wait3A_229] : memref<2x16x64xi32, #tpu.memory_space<vmem>> -> memref<1x16x64xi32, #tpu.memory_space<vmem>>
        %dma_wait3A_231 = tpu.memref_squeeze %dma_wait3A_230 : memref<1x16x64xi32, #tpu.memory_space<vmem>> -> memref<16x64xi32, #tpu.memory_space<vmem>>
        %dma_wait3A_232 = arith.constant 0 : i32
        %dma_wait3A_233 = tpu.memref_slice %arg3[%multiple_of3A, %dma_wait3A_232] : memref<5120x64xi32, #tpu.memory_space<hbm>> -> memref<16x64xi32, #tpu.memory_space<hbm>>
        tpu.wait_dma2 semaphore(%arg15 : memref<!tpu.dma_semaphore, #tpu.memory_space<semaphore_mem>>) src(%dma_wait3A_233 : memref<16x64xi32, #tpu.memory_space<hbm>>) dst(%dma_wait3A_231 : memref<16x64xi32, #tpu.memory_space<vmem>>)
        %dma_wait3A_234 = arith.constant 0 : i32
        %dma_wait3A_235 = arith.constant 0 : i32
        %dma_wait3A_236 = arith.constant 0 : i32
        %dma_wait3A_237 = tpu.memref_slice %arg8[%dma_wait3A_234, %dma_wait3A_235, %dma_wait3A_236] : memref<2x16x64xi32, #tpu.memory_space<vmem>> -> memref<1x16x64xi32, #tpu.memory_space<vmem>>
        %dma_wait3A_238 = tpu.memref_squeeze %dma_wait3A_237 : memref<1x16x64xi32, #tpu.memory_space<vmem>> -> memref<16x64xi32, #tpu.memory_space<vmem>>
        %dma_wait3A_239 = arith.constant 0 : i32
        %dma_wait3A_240 = tpu.memref_slice %arg3[%multiple_of3A, %dma_wait3A_239] : memref<5120x64xi32, #tpu.memory_space<hbm>> -> memref<16x64xi32, #tpu.memory_space<hbm>>
        %dma_wait3A_241 = arith.constant 0 : i32
        %dma_wait3A_242 = arith.constant 0 : i32
        %dma_wait3A_243 = tpu.memref_slice %arg8[%dma_wait3A_234, %dma_wait3A_241, %dma_wait3A_242] : memref<2x16x64xi32, #tpu.memory_space<vmem>> -> memref<1x16x64xi32, #tpu.memory_space<vmem>>
        %dma_wait3A_244 = tpu.memref_squeeze %dma_wait3A_243 : memref<1x16x64xi32, #tpu.memory_space<vmem>> -> memref<16x64xi32, #tpu.memory_space<vmem>>
        %dma_wait3A_245 = arith.constant 0 : i32
        %dma_wait3A_246 = tpu.memref_slice %arg3[%multiple_of3A, %dma_wait3A_245] : memref<5120x64xi32, #tpu.memory_space<hbm>> -> memref<16x64xi32, #tpu.memory_space<hbm>>
        tpu.wait_dma2 semaphore(%arg15 : memref<!tpu.dma_semaphore, #tpu.memory_space<semaphore_mem>>) src(%dma_wait3A_246 : memref<16x64xi32, #tpu.memory_space<hbm>>) dst(%dma_wait3A_244 : memref<16x64xi32, #tpu.memory_space<vmem>>)
      } else {
      }
      %dma_wait3A_171 = arith.constant 0 : i32
      %dma_wait3A_172 = arith.constant 0 : i32
      %dma_wait3A_173 = arith.constant 0 : i32
      %dma_wait3A_174 = tpu.memref_slice %arg9[%dma_wait3A_171, %dma_wait3A_172, %dma_wait3A_173] : memref<5x64x64xi32, #tpu.memory_space<vmem>> -> memref<1x64x64xi32, #tpu.memory_space<vmem>>
      %dma_wait3A_175 = tpu.memref_squeeze %dma_wait3A_174 : memref<1x64x64xi32, #tpu.memory_space<vmem>> -> memref<64x64xi32, #tpu.memory_space<vmem>>
      %dma_wait3A_176 = arith.constant 0 : i32
      %dma_wait3A_177 = arith.constant 0 : i32
      %dma_wait3A_178 = tpu.memref_slice %arg2[%dma_wait3A_176, %dma_wait3A_177] : memref<10000x64xi32, #tpu.memory_space<hbm>> -> memref<64x64xi32, #tpu.memory_space<hbm>>
      %dma_wait3A_179 = arith.constant 0 : i32
      %dma_wait3A_180 = arith.constant 0 : i32
      %dma_wait3A_181 = tpu.memref_slice %arg9[%dma_wait3A_171, %dma_wait3A_179, %dma_wait3A_180] : memref<5x64x64xi32, #tpu.memory_space<vmem>> -> memref<1x64x64xi32, #tpu.memory_space<vmem>>
      %dma_wait3A_182 = tpu.memref_squeeze %dma_wait3A_181 : memref<1x64x64xi32, #tpu.memory_space<vmem>> -> memref<64x64xi32, #tpu.memory_space<vmem>>
      %dma_wait3A_183 = arith.constant 0 : i32
      %dma_wait3A_184 = arith.constant 0 : i32
      %dma_wait3A_185 = tpu.memref_slice %arg2[%dma_wait3A_183, %dma_wait3A_184] : memref<10000x64xi32, #tpu.memory_space<hbm>> -> memref<64x64xi32, #tpu.memory_space<hbm>>
      tpu.wait_dma2 semaphore(%arg13 : memref<!tpu.dma_semaphore, #tpu.memory_space<semaphore_mem>>) src(%dma_wait3A_185 : memref<64x64xi32, #tpu.memory_space<hbm>>) dst(%dma_wait3A_182 : memref<64x64xi32, #tpu.memory_space<vmem>>)
      %rem3A_186 = arith.constant 3 : i32
      %rem3A_187 = arith.remsi %scan3A_125, %rem3A_186 : i32
      %ge3A = arith.constant 3 : i32
      %ge3A_188 = arith.cmpi sge, %scan3A_125, %ge3A : i32
      %convert_element_type3A_189 = arith.extui %ge3A_188 : i1 to i32
      %cond3A_190 = arith.constant 0 : i32
      %cond3A_191 = arith.cmpi ne, %convert_element_type3A_189, %cond3A_190 : i32
      scf.if %cond3A_191 {
        %dma_wait3A_221 = arith.constant 0 : i32
        %dma_wait3A_222 = arith.constant 0 : i32
        %dma_wait3A_223 = arith.constant 0 : i32
        %dma_wait3A_224 = arith.constant 0 : i32
        %dma_wait3A_225 = tpu.memref_slice %arg10[%dma_wait3A_222, %dma_wait3A_223, %dma_wait3A_224] : memref<3x64x128xf32, #tpu.memory_space<vmem>> -> memref<1x64x128xf32, #tpu.memory_space<vmem>>
        %dma_wait3A_226 = tpu.memref_squeeze %dma_wait3A_225 : memref<1x64x128xf32, #tpu.memory_space<vmem>> -> memref<64x128xf32, #tpu.memory_space<vmem>>
        %dma_wait3A_227 = arith.constant 0 : i32
        %dma_wait3A_228 = arith.constant 0 : i32
        %dma_wait3A_229 = tpu.memref_slice %arg6[%dma_wait3A_221, %dma_wait3A_227, %dma_wait3A_228] : memref<2x10112x128xf32, #tpu.memory_space<hbm>> -> memref<1x64x128xf32, #tpu.memory_space<hbm>>
        %dma_wait3A_230 = tpu.memref_squeeze %dma_wait3A_229 : memref<1x64x128xf32, #tpu.memory_space<hbm>> -> memref<64x128xf32, #tpu.memory_space<hbm>>
        %dma_wait3A_231 = arith.constant 0 : i32
        %dma_wait3A_232 = arith.constant 0 : i32
        %dma_wait3A_233 = tpu.memref_slice %arg10[%dma_wait3A_222, %dma_wait3A_231, %dma_wait3A_232] : memref<3x64x128xf32, #tpu.memory_space<vmem>> -> memref<1x64x128xf32, #tpu.memory_space<vmem>>
        %dma_wait3A_234 = tpu.memref_squeeze %dma_wait3A_233 : memref<1x64x128xf32, #tpu.memory_space<vmem>> -> memref<64x128xf32, #tpu.memory_space<vmem>>
        %dma_wait3A_235 = arith.constant 0 : i32
        %dma_wait3A_236 = arith.constant 0 : i32
        %dma_wait3A_237 = tpu.memref_slice %arg6[%dma_wait3A_221, %dma_wait3A_235, %dma_wait3A_236] : memref<2x10112x128xf32, #tpu.memory_space<hbm>> -> memref<1x64x128xf32, #tpu.memory_space<hbm>>
        %dma_wait3A_238 = tpu.memref_squeeze %dma_wait3A_237 : memref<1x64x128xf32, #tpu.memory_space<hbm>> -> memref<64x128xf32, #tpu.memory_space<hbm>>
        tpu.wait_dma2 semaphore(%arg14 : memref<!tpu.dma_semaphore, #tpu.memory_space<semaphore_mem>>) src(%dma_wait3A_238 : memref<64x128xf32, #tpu.memory_space<hbm>>) dst(%dma_wait3A_234 : memref<64x128xf32, #tpu.memory_space<vmem>>)
      } else {
      }
      %rem3A_192 = arith.constant 5 : i32
      %rem3A_193 = arith.remsi %scan3A_125, %rem3A_192 : i32
      %scan3A_194 = arith.constant 0 : i32
      %scan3A_195 = arith.constant 0 : i32
      %scan3A_196 = arith.constant 64 : i32
      %scan3A_197 = arith.addi %scan3A_195, %scan3A_196 : i32
      %scan3A_198 = arith.constant 1 : i32
      %scan3A_199 = scf.for %scan3A_221 = %scan3A_195 to %scan3A_197 step %scan3A_198 iter_args(%scan3A_222 = %scan3A_194) -> (i32)  : i32 {
        %get3A = arith.index_cast %rem3A_193 : i32 to index
        %get3A_223 = arith.index_cast %scan3A_221 : i32 to index
        %get3A_224 = arith.constant 0 : index
        %get3A_225 = tpu.vector_load %arg9[%get3A, %get3A_223, %get3A_224] {strides = array<i32>} : memref<5x64x64xi32, #tpu.memory_space<vmem>>, vector<1x1x16xi32>,
        %get3A_226 = vector.shape_cast %get3A_225 : vector<1x1x16xi32> to vector<16xi32>
        %shift_left3A = arith.constant 16 : i32
        %shift_left3A_227 = vector.broadcast %shift_left3A : i32 to vector<16xi32>
        %shift_left3A_228 = arith.shli %get3A_226, %shift_left3A_227 : vector<16xi32>
        %bitcast_convert_type3A = tpu.bitcast %shift_left3A_228 : vector<16xi32> -> vector<16xf32>
        %and3A_229 = arith.constant -65536 : i32
        %and3A_230 = vector.broadcast %and3A_229 : i32 to vector<16xi32>
        %and3A_231 = arith.andi %get3A_226, %and3A_230 : vector<16xi32>
        %bitcast_convert_type3A_232 = tpu.bitcast %and3A_231 : vector<16xi32> -> vector<16xf32>
        %swap3A = arith.index_cast %rem3A_187 : i32 to index
        %swap3A_233 = arith.index_cast %scan3A_221 : i32 to index
        %swap3A_234 = arith.constant 0 : index
        %swap3A_235 = tpu.vector_load %arg10[%swap3A, %swap3A_233, %swap3A_234] {strides = array<i32>} : memref<3x64x128xf32, #tpu.memory_space<vmem>>, vector<1x1x16xf32>,
        %swap3A_236 = vector.shape_cast %swap3A_235 : vector<1x1x16xf32> to vector<16xf32>
        %swap3A_237 = vector.shape_cast %bitcast_convert_type3A : vector<16xf32> to vector<1x1x16xf32>
        tpu.vector_store %arg10[%swap3A, %swap3A_233, %swap3A_234], %swap3A_237 {strides = array<i32>} : memref<3x64x128xf32, #tpu.memory_space<vmem>>, vector<1x1x16xf32>,
        %swap3A_238 = arith.index_cast %rem3A_187 : i32 to index
        %swap3A_239 = arith.index_cast %scan3A_221 : i32 to index
        %swap3A_240 = arith.constant 16 : index
        %swap3A_241 = tpu.vector_load %arg10[%swap3A_238, %swap3A_239, %swap3A_240] {strides = array<i32>} : memref<3x64x128xf32, #tpu.memory_space<vmem>>, vector<1x1x16xf32>,
        %swap3A_242 = vector.shape_cast %swap3A_241 : vector<1x1x16xf32> to vector<16xf32>
        %swap3A_243 = vector.shape_cast %bitcast_convert_type3A_232 : vector<16xf32> to vector<1x1x16xf32>
        tpu.vector_store %arg10[%swap3A_238, %swap3A_239, %swap3A_240], %swap3A_243 {strides = array<i32>} : memref<3x64x128xf32, #tpu.memory_space<vmem>>, vector<1x1x16xf32>,
        %get3A_244 = arith.index_cast %rem3A_193 : i32 to index
        %get3A_245 = arith.index_cast %scan3A_221 : i32 to index
        %get3A_246 = arith.constant 16 : index
        %get3A_247 = tpu.vector_load %arg9[%get3A_244, %get3A_245, %get3A_246] {strides = array<i32>} : memref<5x64x64xi32, #tpu.memory_space<vmem>>, vector<1x1x16xi32>,
        %get3A_248 = vector.shape_cast %get3A_247 : vector<1x1x16xi32> to vector<16xi32>
        %shift_left3A_249 = arith.constant 16 : i32
        %shift_left3A_250 = vector.broadcast %shift_left3A_249 : i32 to vector<16xi32>
        %shift_left3A_251 = arith.shli %get3A_248, %shift_left3A_250 : vector<16xi32>
        %bitcast_convert_type3A_252 = tpu.bitcast %shift_left3A_251 : vector<16xi32> -> vector<16xf32>
        %and3A_253 = arith.constant -65536 : i32
        %and3A_254 = vector.broadcast %and3A_253 : i32 to vector<16xi32>
        %and3A_255 = arith.andi %get3A_248, %and3A_254 : vector<16xi32>
        %bitcast_convert_type3A_256 = tpu.bitcast %and3A_255 : vector<16xi32> -> vector<16xf32>
        %swap3A_257 = arith.index_cast %rem3A_187 : i32 to index
        %swap3A_258 = arith.index_cast %scan3A_221 : i32 to index
        %swap3A_259 = arith.constant 32 : index
        %swap3A_260 = tpu.vector_load %arg10[%swap3A_257, %swap3A_258, %swap3A_259] {strides = array<i32>} : memref<3x64x128xf32, #tpu.memory_space<vmem>>, vector<1x1x16xf32>,
        %swap3A_261 = vector.shape_cast %swap3A_260 : vector<1x1x16xf32> to vector<16xf32>
        %swap3A_262 = vector.shape_cast %bitcast_convert_type3A_252 : vector<16xf32> to vector<1x1x16xf32>
        tpu.vector_store %arg10[%swap3A_257, %swap3A_258, %swap3A_259], %swap3A_262 {strides = array<i32>} : memref<3x64x128xf32, #tpu.memory_space<vmem>>, vector<1x1x16xf32>,
        %swap3A_263 = arith.index_cast %rem3A_187 : i32 to index
        %swap3A_264 = arith.index_cast %scan3A_221 : i32 to index
        %swap3A_265 = arith.constant 48 : index
        %swap3A_266 = tpu.vector_load %arg10[%swap3A_263, %swap3A_264, %swap3A_265] {strides = array<i32>} : memref<3x64x128xf32, #tpu.memory_space<vmem>>, vector<1x1x16xf32>,
        %swap3A_267 = vector.shape_cast %swap3A_266 : vector<1x1x16xf32> to vector<16xf32>
        %swap3A_268 = vector.shape_cast %bitcast_convert_type3A_256 : vector<16xf32> to vector<1x1x16xf32>
        tpu.vector_store %arg10[%swap3A_263, %swap3A_264, %swap3A_265], %swap3A_268 {strides = array<i32>} : memref<3x64x128xf32, #tpu.memory_space<vmem>>, vector<1x1x16xf32>,
        %get3A_269 = arith.index_cast %rem3A_193 : i32 to index
        %get3A_270 = arith.index_cast %scan3A_221 : i32 to index
        %get3A_271 = arith.constant 32 : index
        %get3A_272 = tpu.vector_load %arg9[%get3A_269, %get3A_270, %get3A_271] {strides = array<i32>} : memref<5x64x64xi32, #tpu.memory_space<vmem>>, vector<1x1x16xi32>,
        %get3A_273 = vector.shape_cast %get3A_272 : vector<1x1x16xi32> to vector<16xi32>
        %shift_left3A_274 = arith.constant 16 : i32
        %shift_left3A_275 = vector.broadcast %shift_left3A_274 : i32 to vector<16xi32>
        %shift_left3A_276 = arith.shli %get3A_273, %shift_left3A_275 : vector<16xi32>
        %bitcast_convert_type3A_277 = tpu.bitcast %shift_left3A_276 : vector<16xi32> -> vector<16xf32>
        %and3A_278 = arith.constant -65536 : i32
        %and3A_279 = vector.broadcast %and3A_278 : i32 to vector<16xi32>
        %and3A_280 = arith.andi %get3A_273, %and3A_279 : vector<16xi32>
        %bitcast_convert_type3A_281 = tpu.bitcast %and3A_280 : vector<16xi32> -> vector<16xf32>
        %swap3A_282 = arith.index_cast %rem3A_187 : i32 to index
        %swap3A_283 = arith.index_cast %scan3A_221 : i32 to index
        %swap3A_284 = arith.constant 64 : index
        %swap3A_285 = tpu.vector_load %arg10[%swap3A_282, %swap3A_283, %swap3A_284] {strides = array<i32>} : memref<3x64x128xf32, #tpu.memory_space<vmem>>, vector<1x1x16xf32>,
        %swap3A_286 = vector.shape_cast %swap3A_285 : vector<1x1x16xf32> to vector<16xf32>
        %swap3A_287 = vector.shape_cast %bitcast_convert_type3A_277 : vector<16xf32> to vector<1x1x16xf32>
        tpu.vector_store %arg10[%swap3A_282, %swap3A_283, %swap3A_284], %swap3A_287 {strides = array<i32>} : memref<3x64x128xf32, #tpu.memory_space<vmem>>, vector<1x1x16xf32>,
        %swap3A_288 = arith.index_cast %rem3A_187 : i32 to index
        %swap3A_289 = arith.index_cast %scan3A_221 : i32 to index
        %swap3A_290 = arith.constant 80 : index
        %swap3A_291 = tpu.vector_load %arg10[%swap3A_288, %swap3A_289, %swap3A_290] {strides = array<i32>} : memref<3x64x128xf32, #tpu.memory_space<vmem>>, vector<1x1x16xf32>,
        %swap3A_292 = vector.shape_cast %swap3A_291 : vector<1x1x16xf32> to vector<16xf32>
        %swap3A_293 = vector.shape_cast %bitcast_convert_type3A_281 : vector<16xf32> to vector<1x1x16xf32>
        tpu.vector_store %arg10[%swap3A_288, %swap3A_289, %swap3A_290], %swap3A_293 {strides = array<i32>} : memref<3x64x128xf32, #tpu.memory_space<vmem>>, vector<1x1x16xf32>,
        %get3A_294 = arith.index_cast %rem3A_193 : i32 to index
        %get3A_295 = arith.index_cast %scan3A_221 : i32 to index
        %get3A_296 = arith.constant 48 : index
        %get3A_297 = tpu.vector_load %arg9[%get3A_294, %get3A_295, %get3A_296] {strides = array<i32>} : memref<5x64x64xi32, #tpu.memory_space<vmem>>, vector<1x1x16xi32>,
        %get3A_298 = vector.shape_cast %get3A_297 : vector<1x1x16xi32> to vector<16xi32>
        %shift_left3A_299 = arith.constant 16 : i32
        %shift_left3A_300 = vector.broadcast %shift_left3A_299 : i32 to vector<16xi32>
        %shift_left3A_301 = arith.shli %get3A_298, %shift_left3A_300 : vector<16xi32>
        %bitcast_convert_type3A_302 = tpu.bitcast %shift_left3A_301 : vector<16xi32> -> vector<16xf32>
        %and3A_303 = arith.constant -65536 : i32
        %and3A_304 = vector.broadcast %and3A_303 : i32 to vector<16xi32>
        %and3A_305 = arith.andi %get3A_298, %and3A_304 : vector<16xi32>
        %bitcast_convert_type3A_306 = tpu.bitcast %and3A_305 : vector<16xi32> -> vector<16xf32>
        %swap3A_307 = arith.index_cast %rem3A_187 : i32 to index
        %swap3A_308 = arith.index_cast %scan3A_221 : i32 to index
        %swap3A_309 = arith.constant 96 : index
        %swap3A_310 = tpu.vector_load %arg10[%swap3A_307, %swap3A_308, %swap3A_309] {strides = array<i32>} : memref<3x64x128xf32, #tpu.memory_space<vmem>>, vector<1x1x16xf32>,
        %swap3A_311 = vector.shape_cast %swap3A_310 : vector<1x1x16xf32> to vector<16xf32>
        %swap3A_312 = vector.shape_cast %bitcast_convert_type3A_302 : vector<16xf32> to vector<1x1x16xf32>
        tpu.vector_store %arg10[%swap3A_307, %swap3A_308, %swap3A_309], %swap3A_312 {strides = array<i32>} : memref<3x64x128xf32, #tpu.memory_space<vmem>>, vector<1x1x16xf32>,
        %swap3A_313 = arith.index_cast %rem3A_187 : i32 to index
        %swap3A_314 = arith.index_cast %scan3A_221 : i32 to index
        %swap3A_315 = arith.constant 112 : index
        %swap3A_316 = tpu.vector_load %arg10[%swap3A_313, %swap3A_314, %swap3A_315] {strides = array<i32>} : memref<3x64x128xf32, #tpu.memory_space<vmem>>, vector<1x1x16xf32>,
        %swap3A_317 = vector.shape_cast %swap3A_316 : vector<1x1x16xf32> to vector<16xf32>
        %swap3A_318 = vector.shape_cast %bitcast_convert_type3A_306 : vector<16xf32> to vector<1x1x16xf32>
        tpu.vector_store %arg10[%swap3A_313, %swap3A_314, %swap3A_315], %swap3A_318 {strides = array<i32>} : memref<3x64x128xf32, #tpu.memory_space<vmem>>, vector<1x1x16xf32>,
        %scan3A_319 = arith.constant 0 : i32
        scf.yield %scan3A_319 : i32
      }
      %scan3A_200 = arith.constant 64 : i32
      %rem3A_201 = arith.constant 2 : i32
      %rem3A_202 = arith.remsi %select_n3A, %rem3A_201 : i32
      %dma_start3A_203 = arith.constant 0 : i32
      %dma_start3A_204 = arith.constant 0 : i32
      %dma_start3A_205 = tpu.memref_slice %arg10[%rem3A_187, %dma_start3A_203, %dma_start3A_204] : memref<3x64x128xf32, #tpu.memory_space<vmem>> -> memref<1x64x128xf32, #tpu.memory_space<vmem>>
      %dma_start3A_206 = tpu.memref_squeeze %dma_start3A_205 : memref<1x64x128xf32, #tpu.memory_space<vmem>> -> memref<64x128xf32, #tpu.memory_space<vmem>>
      %dma_start3A_207 = arith.constant 0 : i32
      %dma_start3A_208 = tpu.memref_slice %arg8[%rem3A_202, %select_n3A_156, %dma_start3A_207] : memref<2x16x64xi32, #tpu.memory_space<vmem>> -> memref<1x1x64xi32, #tpu.memory_space<vmem>>
      %dma_start3A_209 = tpu.memref_squeeze %dma_start3A_208 : memref<1x1x64xi32, #tpu.memory_space<vmem>> -> memref<64xi32, #tpu.memory_space<vmem>>
      %dma_start3A_210 = arith.constant 0 : i32
      %dma_start3A_211 = arith.constant 0 : i32
      %dma_start3A_212 = tpu.memref_slice %arg11[%dma_start3A_210, %dma_start3A_211] : memref<10112x128xf32, #tpu.memory_space<vmem_shared>> -> memref<10112x128xf32, #tpu.memory_space<vmem_shared>>
      tpu.enqueue_indirect_dma source(%dma_start3A_206 : memref<64x128xf32, #tpu.memory_space<vmem>>) target(%dma_start3A_212 : memref<10112x128xf32, #tpu.memory_space<vmem_shared>>) offsets(%dma_start3A_209 : memref<64xi32, #tpu.memory_space<vmem>>) semaphore(%arg14 : memref<!tpu.dma_semaphore, #tpu.memory_space<semaphore_mem>>) {add = true}
      %add3A_213 = arith.constant 4 : i32
      %add3A_214 = arith.addi %scan3A_125, %add3A_213 : i32
      %lt3A_215 = arith.constant 160 : i32
      %lt3A_216 = arith.cmpi slt, %add3A_214, %lt3A_215 : i32
      %convert_element_type3A_217 = arith.extui %lt3A_216 : i1 to i32
      %cond3A_218 = arith.constant 0 : i32
      %cond3A_219 = arith.cmpi ne, %convert_element_type3A_217, %cond3A_218 : i32
      scf.if %cond3A_219 {
        %add3A_221 = arith.constant 4 : i32
        %add3A_222 = arith.addi %scan3A_125, %add3A_221 : i32
        %jit3A_223 = arith.constant 16 : i32
        %div3A_224 = arith.divsi %add3A_222, %jit3A_223 : i32
        %sign3A_225 = arith.constant 0 : i32
        %sign3A_226 = arith.cmpi sgt, %add3A_222, %sign3A_225 : i32
        %sign3A_227 = arith.extui %sign3A_226 : i1 to i32
        %sign3A_228 = arith.constant 0 : i32
        %sign3A_229 = arith.cmpi slt, %add3A_222, %sign3A_228 : i32
        %sign3A_230 = arith.extui %sign3A_229 : i1 to i32
        %sign3A_231 = arith.subi %sign3A_227, %sign3A_230 : i32
        %sign3A_232 = arith.constant 0 : i32
        %sign3A_233 = arith.cmpi sgt, %jit3A_223, %sign3A_232 : i32
        %sign3A_234 = arith.extui %sign3A_233 : i1 to i32
        %sign3A_235 = arith.constant 0 : i32
        %sign3A_236 = arith.cmpi slt, %jit3A_223, %sign3A_235 : i32
        %sign3A_237 = arith.extui %sign3A_236 : i1 to i32
        %sign3A_238 = arith.subi %sign3A_234, %sign3A_237 : i32
        %ne3A_239 = arith.cmpi ne, %sign3A_231, %sign3A_238 : i32
        %rem3A_240 = arith.remsi %add3A_222, %jit3A_223 : i32
        %ne3A_241 = arith.constant 0 : i32
        %ne3A_242 = arith.cmpi ne, %rem3A_240, %ne3A_241 : i32
        %and3A_243 = arith.andi %ne3A_239, %ne3A_242 : i1
        %sub3A_244 = arith.constant 1 : i32
        %sub3A_245 = arith.subi %div3A_224, %sub3A_244 : i32
        %select_n3A_246 = arith.select %and3A_243, %sub3A_245, %div3A_224 : i32
        %rem3A_247 = arith.constant 2 : i32
        %rem3A_248 = arith.remsi %select_n3A_246, %rem3A_247 : i32
        %rem3A_249 = arith.constant 16 : i32
        %rem3A_250 = arith.remsi %add3A_222, %rem3A_249 : i32
        %rem3A_251 = arith.constant 5 : i32
        %rem3A_252 = arith.remsi %add3A_222, %rem3A_251 : i32
        %dma_start3A_253 = arith.constant 0 : i32
        %dma_start3A_254 = arith.constant 0 : i32
        %dma_start3A_255 = tpu.memref_slice %arg9[%rem3A_252, %dma_start3A_253, %dma_start3A_254] : memref<5x64x64xi32, #tpu.memory_space<vmem>> -> memref<1x64x64xi32, #tpu.memory_space<vmem>>
        %dma_start3A_256 = tpu.memref_squeeze %dma_start3A_255 : memref<1x64x64xi32, #tpu.memory_space<vmem>> -> memref<64x64xi32, #tpu.memory_space<vmem>>
        %dma_start3A_257 = arith.constant 0 : i32
        %dma_start3A_258 = tpu.memref_slice %arg7[%rem3A_248, %rem3A_250, %dma_start3A_257] : memref<2x16x64xi32, #tpu.memory_space<vmem>> -> memref<1x1x64xi32, #tpu.memory_space<vmem>>
        %dma_start3A_259 = tpu.memref_squeeze %dma_start3A_258 : memref<1x1x64xi32, #tpu.memory_space<vmem>> -> memref<64xi32, #tpu.memory_space<vmem>>
        %dma_start3A_260 = arith.constant 0 : i32
        %dma_start3A_261 = arith.constant 0 : i32
        %dma_start3A_262 = tpu.memref_slice %arg2[%dma_start3A_260, %dma_start3A_261] : memref<10000x64xi32, #tpu.memory_space<hbm>> -> memref<10000x64xi32, #tpu.memory_space<hbm>>
        tpu.enqueue_indirect_dma source(%dma_start3A_262 : memref<10000x64xi32, #tpu.memory_space<hbm>>) target(%dma_start3A_256 : memref<64x64xi32, #tpu.memory_space<vmem>>) offsets(%dma_start3A_259 : memref<64xi32, #tpu.memory_space<vmem>>) semaphore(%arg13 : memref<!tpu.dma_semaphore, #tpu.memory_space<semaphore_mem>>)
      } else {
      }
      %scan3A_220 = arith.constant 0 : i32
      scf.yield %scan3A_220 : i32
    }
    %scan3A_65 = arith.constant 160 : i32
    %dma_wait3A_66 = arith.constant 0 : i32
    %dma_wait3A_67 = arith.constant 0 : i32
    %dma_wait3A_68 = arith.constant 0 : i32
    %dma_wait3A_69 = arith.constant 0 : i32
    %dma_wait3A_70 = tpu.memref_slice %arg10[%dma_wait3A_67, %dma_wait3A_68, %dma_wait3A_69] : memref<3x64x128xf32, #tpu.memory_space<vmem>> -> memref<1x64x128xf32, #tpu.memory_space<vmem>>
    %dma_wait3A_71 = tpu.memref_squeeze %dma_wait3A_70 : memref<1x64x128xf32, #tpu.memory_space<vmem>> -> memref<64x128xf32, #tpu.memory_space<vmem>>
    %dma_wait3A_72 = arith.constant 0 : i32
    %dma_wait3A_73 = arith.constant 0 : i32
    %dma_wait3A_74 = tpu.memref_slice %arg6[%dma_wait3A_66, %dma_wait3A_72, %dma_wait3A_73] : memref<2x10112x128xf32, #tpu.memory_space<hbm>> -> memref<1x64x128xf32, #tpu.memory_space<hbm>>
    %dma_wait3A_75 = tpu.memref_squeeze %dma_wait3A_74 : memref<1x64x128xf32, #tpu.memory_space<hbm>> -> memref<64x128xf32, #tpu.memory_space<hbm>>
    %dma_wait3A_76 = arith.constant 0 : i32
    %dma_wait3A_77 = arith.constant 0 : i32
    %dma_wait3A_78 = tpu.memref_slice %arg10[%dma_wait3A_67, %dma_wait3A_76, %dma_wait3A_77] : memref<3x64x128xf32, #tpu.memory_space<vmem>> -> memref<1x64x128xf32, #tpu.memory_space<vmem>>
    %dma_wait3A_79 = tpu.memref_squeeze %dma_wait3A_78 : memref<1x64x128xf32, #tpu.memory_space<vmem>> -> memref<64x128xf32, #tpu.memory_space<vmem>>
    %dma_wait3A_80 = arith.constant 0 : i32
    %dma_wait3A_81 = arith.constant 0 : i32
    %dma_wait3A_82 = tpu.memref_slice %arg6[%dma_wait3A_66, %dma_wait3A_80, %dma_wait3A_81] : memref<2x10112x128xf32, #tpu.memory_space<hbm>> -> memref<1x64x128xf32, #tpu.memory_space<hbm>>
    %dma_wait3A_83 = tpu.memref_squeeze %dma_wait3A_82 : memref<1x64x128xf32, #tpu.memory_space<hbm>> -> memref<64x128xf32, #tpu.memory_space<hbm>>
    tpu.wait_dma2 semaphore(%arg14 : memref<!tpu.dma_semaphore, #tpu.memory_space<semaphore_mem>>) src(%dma_wait3A_83 : memref<64x128xf32, #tpu.memory_space<hbm>>) dst(%dma_wait3A_79 : memref<64x128xf32, #tpu.memory_space<vmem>>)
    %dma_wait3A_84 = arith.constant 0 : i32
    %dma_wait3A_85 = arith.constant 0 : i32
    %dma_wait3A_86 = arith.constant 0 : i32
    %dma_wait3A_87 = arith.constant 0 : i32
    %dma_wait3A_88 = tpu.memref_slice %arg10[%dma_wait3A_85, %dma_wait3A_86, %dma_wait3A_87] : memref<3x64x128xf32, #tpu.memory_space<vmem>> -> memref<1x64x128xf32, #tpu.memory_space<vmem>>
    %dma_wait3A_89 = tpu.memref_squeeze %dma_wait3A_88 : memref<1x64x128xf32, #tpu.memory_space<vmem>> -> memref<64x128xf32, #tpu.memory_space<vmem>>
    %dma_wait3A_90 = arith.constant 0 : i32
    %dma_wait3A_91 = arith.constant 0 : i32
    %dma_wait3A_92 = tpu.memref_slice %arg6[%dma_wait3A_84, %dma_wait3A_90, %dma_wait3A_91] : memref<2x10112x128xf32, #tpu.memory_space<hbm>> -> memref<1x64x128xf32, #tpu.memory_space<hbm>>
    %dma_wait3A_93 = tpu.memref_squeeze %dma_wait3A_92 : memref<1x64x128xf32, #tpu.memory_space<hbm>> -> memref<64x128xf32, #tpu.memory_space<hbm>>
    %dma_wait3A_94 = arith.constant 0 : i32
    %dma_wait3A_95 = arith.constant 0 : i32
    %dma_wait3A_96 = tpu.memref_slice %arg10[%dma_wait3A_85, %dma_wait3A_94, %dma_wait3A_95] : memref<3x64x128xf32, #tpu.memory_space<vmem>> -> memref<1x64x128xf32, #tpu.memory_space<vmem>>
    %dma_wait3A_97 = tpu.memref_squeeze %dma_wait3A_96 : memref<1x64x128xf32, #tpu.memory_space<vmem>> -> memref<64x128xf32, #tpu.memory_space<vmem>>
    %dma_wait3A_98 = arith.constant 0 : i32
    %dma_wait3A_99 = arith.constant 0 : i32
    %dma_wait3A_100 = tpu.memref_slice %arg6[%dma_wait3A_84, %dma_wait3A_98, %dma_wait3A_99] : memref<2x10112x128xf32, #tpu.memory_space<hbm>> -> memref<1x64x128xf32, #tpu.memory_space<hbm>>
    %dma_wait3A_101 = tpu.memref_squeeze %dma_wait3A_100 : memref<1x64x128xf32, #tpu.memory_space<hbm>> -> memref<64x128xf32, #tpu.memory_space<hbm>>
    tpu.wait_dma2 semaphore(%arg14 : memref<!tpu.dma_semaphore, #tpu.memory_space<semaphore_mem>>) src(%dma_wait3A_101 : memref<64x128xf32, #tpu.memory_space<hbm>>) dst(%dma_wait3A_97 : memref<64x128xf32, #tpu.memory_space<vmem>>)
    %dma_wait3A_102 = arith.constant 0 : i32
    %dma_wait3A_103 = arith.constant 0 : i32
    %dma_wait3A_104 = arith.constant 0 : i32
    %dma_wait3A_105 = arith.constant 0 : i32
    %dma_wait3A_106 = tpu.memref_slice %arg10[%dma_wait3A_103, %dma_wait3A_104, %dma_wait3A_105] : memref<3x64x128xf32, #tpu.memory_space<vmem>> -> memref<1x64x128xf32, #tpu.memory_space<vmem>>
    %dma_wait3A_107 = tpu.memref_squeeze %dma_wait3A_106 : memref<1x64x128xf32, #tpu.memory_space<vmem>> -> memref<64x128xf32, #tpu.memory_space<vmem>>
    %dma_wait3A_108 = arith.constant 0 : i32
    %dma_wait3A_109 = arith.constant 0 : i32
    %dma_wait3A_110 = tpu.memref_slice %arg6[%dma_wait3A_102, %dma_wait3A_108, %dma_wait3A_109] : memref<2x10112x128xf32, #tpu.memory_space<hbm>> -> memref<1x64x128xf32, #tpu.memory_space<hbm>>
    %dma_wait3A_111 = tpu.memref_squeeze %dma_wait3A_110 : memref<1x64x128xf32, #tpu.memory_space<hbm>> -> memref<64x128xf32, #tpu.memory_space<hbm>>
    %dma_wait3A_112 = arith.constant 0 : i32
    %dma_wait3A_113 = arith.constant 0 : i32
    %dma_wait3A_114 = tpu.memref_slice %arg10[%dma_wait3A_103, %dma_wait3A_112, %dma_wait3A_113] : memref<3x64x128xf32, #tpu.memory_space<vmem>> -> memref<1x64x128xf32, #tpu.memory_space<vmem>>
    %dma_wait3A_115 = tpu.memref_squeeze %dma_wait3A_114 : memref<1x64x128xf32, #tpu.memory_space<vmem>> -> memref<64x128xf32, #tpu.memory_space<vmem>>
    %dma_wait3A_116 = arith.constant 0 : i32
    %dma_wait3A_117 = arith.constant 0 : i32
    %dma_wait3A_118 = tpu.memref_slice %arg6[%dma_wait3A_102, %dma_wait3A_116, %dma_wait3A_117] : memref<2x10112x128xf32, #tpu.memory_space<hbm>> -> memref<1x64x128xf32, #tpu.memory_space<hbm>>
    %dma_wait3A_119 = tpu.memref_squeeze %dma_wait3A_118 : memref<1x64x128xf32, #tpu.memory_space<hbm>> -> memref<64x128xf32, #tpu.memory_space<hbm>>
    tpu.wait_dma2 semaphore(%arg14 : memref<!tpu.dma_semaphore, #tpu.memory_space<semaphore_mem>>) src(%dma_wait3A_119 : memref<64x128xf32, #tpu.memory_space<hbm>>) dst(%dma_wait3A_115 : memref<64x128xf32, #tpu.memory_space<vmem>>)
    %barrier3A_120 = arith.constant 0 : index
    tpu.barrier barrier_id(%barrier3A_120)
    %mul3A_121 = arith.constant 632 : i32
    %mul3A_122 = arith.muli %arg1, %mul3A_121 : i32
    %mul3A_123 = arith.constant 632 : i32
    %mul3A_124 = arith.muli %arg1, %mul3A_123 : i32
    "tpu.region"() ({
      %run_scoped3A_125 = tpu.sem_alloc : memref<!tpu.dma_semaphore, #tpu.memory_space<semaphore_mem>>
      %dma_start3A_126 = arith.constant 0 : i32
      %dma_start3A_127 = tpu.memref_slice %arg6[%arg0, %mul3A_124, %dma_start3A_126] : memref<2x10112x128xf32, #tpu.memory_space<hbm>> -> memref<1x632x128xf32, #tpu.memory_space<hbm>>
      %dma_start3A_128 = tpu.memref_squeeze %dma_start3A_127 : memref<1x632x128xf32, #tpu.memory_space<hbm>> -> memref<632x128xf32, #tpu.memory_space<hbm>>
      %dma_start3A_129 = arith.constant 0 : i32
      %dma_start3A_130 = tpu.memref_slice %arg11[%mul3A_122, %dma_start3A_129] : memref<10112x128xf32, #tpu.memory_space<vmem_shared>> -> memref<632x128xf32, #tpu.memory_space<vmem_shared>>
      tpu.enqueue_dma source(%dma_start3A_130 : memref<632x128xf32, #tpu.memory_space<vmem_shared>>) target(%dma_start3A_128 : memref<632x128xf32, #tpu.memory_space<hbm>>) target_semaphore(%run_scoped3A_125 : memref<!tpu.dma_semaphore, #tpu.memory_space<semaphore_mem>>)
      %dma_wait3A_131 = arith.constant 0 : i32
      %dma_wait3A_132 = tpu.memref_slice %arg6[%arg0, %mul3A_124, %dma_wait3A_131] : memref<2x10112x128xf32, #tpu.memory_space<hbm>> -> memref<1x632x128xf32, #tpu.memory_space<hbm>>
      %dma_wait3A_133 = tpu.memref_squeeze %dma_wait3A_132 : memref<1x632x128xf32, #tpu.memory_space<hbm>> -> memref<632x128xf32, #tpu.memory_space<hbm>>
      %dma_wait3A_134 = arith.constant 0 : i32
      %dma_wait3A_135 = tpu.memref_slice %arg11[%mul3A_122, %dma_wait3A_134] : memref<10112x128xf32, #tpu.memory_space<vmem_shared>> -> memref<632x128xf32, #tpu.memory_space<vmem_shared>>
      tpu.wait_dma2 semaphore(%run_scoped3A_125 : memref<!tpu.dma_semaphore, #tpu.memory_space<semaphore_mem>>) src(%dma_wait3A_135 : memref<632x128xf32, #tpu.memory_space<vmem_shared>>) dst(%dma_wait3A_133 : memref<632x128xf32, #tpu.memory_space<hbm>>)
      tpu.yield
    }) : () -> ()
    return
  }
}

#map = affine_map<(d0, d1) -> (0, 0)>
#map1 = affine_map<(d0, d1) -> (0, 0, 0)>
module attributes {stable_mosaic.version = 14 : i64} {
  func.func @_sc_agg_body(%arg0: i32, %arg1: i32, %arg2: memref<10000x64xi32, #tpu.memory_space<hbm>>, %arg3: memref<5120x64xi32, #tpu.memory_space<hbm>>, %arg4: memref<5120x64xi32, #tpu.memory_space<hbm>>, %arg5: memref<632x128xf32, #tpu.memory_space<hbm>>, %arg6: memref<2x10112x128xf32, #tpu.memory_space<hbm>>, %arg7: memref<2x16x64xi32, #tpu.memory_space<vmem>>, %arg8: memref<2x16x64xi32, #tpu.memory_space<vmem>>, %arg9: memref<5x64x64xi32, #tpu.memory_space<vmem>>, %arg10: memref<3x64x128xf32, #tpu.memory_space<vmem>>, %arg11: memref<10112x128xf32, #tpu.memory_space<vmem_shared>>, %arg12: memref<!tpu.dma_semaphore, #tpu.memory_space<semaphore_mem>>, %arg13: memref<!tpu.dma_semaphore, #tpu.memory_space<semaphore_mem>>, %arg14: memref<!tpu.dma_semaphore, #tpu.memory_space<semaphore_mem>>, %arg15: memref<!tpu.dma_semaphore, #tpu.memory_space<semaphore_mem>>) attributes {dimension_semantics = [#tpu.dimension_semantics<core_parallel>, #tpu.dimension_semantics<subcore_parallel>], iteration_bounds = array<i64: 2, 16>, scalar_prefetch = 0 : i64, scratch_operands = 9 : i64, tpu.core_type = #tpu.core_type<sc_vector_subcore>, window_params = [{transform_indices = #map}, {transform_indices = #map}, {transform_indices = #map}, {transform_indices = #map}, {transform_indices = #map1}]} {
    %mul3A = arith.constant 632 : i32
    %mul3A_0 = arith.muli %arg1, %mul3A : i32
    %dma_start3A = arith.constant 0 : i32
    %dma_start3A_1 = tpu.memref_slice %arg11[%mul3A_0, %dma_start3A] : memref<10112x128xf32, #tpu.memory_space<vmem_shared>> -> memref<632x128xf32, #tpu.memory_space<vmem_shared>>
    tpu.enqueue_dma source(%arg5 : memref<632x128xf32, #tpu.memory_space<hbm>>) target(%dma_start3A_1 : memref<632x128xf32, #tpu.memory_space<vmem_shared>>) target_semaphore(%arg12 : memref<!tpu.dma_semaphore, #tpu.memory_space<semaphore_mem>>)
    %mul3A_2 = arith.constant 16 : i32
    %mul3A_3 = arith.muli %arg0, %mul3A_2 : i32
    %add3A = arith.addi %mul3A_3, %arg1 : i32
    %mul3A_4 = arith.constant 160 : i32
    %mul3A_5 = arith.muli %add3A, %mul3A_4 : i32
    %multiple_of3A = tpu.assume_multiple %mul3A_5, 8 : i32
    %run_scoped3A = arith.constant 0 : i32
    "tpu.region"() ({
      %run_scoped3A_125 = tpu.sem_alloc : memref<!tpu.dma_semaphore, #tpu.memory_space<semaphore_mem>>
      %dma_start3A_126 = arith.constant 0 : i32
      %dma_start3A_127 = arith.constant 0 : i32
      %dma_start3A_128 = tpu.memref_slice %arg7[%run_scoped3A, %dma_start3A_126, %dma_start3A_127] : memref<2x16x64xi32, #tpu.memory_space<vmem>> -> memref<1x16x64xi32, #tpu.memory_space<vmem>>
      %dma_start3A_129 = tpu.memref_squeeze %dma_start3A_128 : memref<1x16x64xi32, #tpu.memory_space<vmem>> -> memref<16x64xi32, #tpu.memory_space<vmem>>
      %dma_start3A_130 = arith.constant 0 : i32
      %dma_start3A_131 = tpu.memref_slice %arg3[%multiple_of3A, %dma_start3A_130] : memref<5120x64xi32, #tpu.memory_space<hbm>> -> memref<16x64xi32, #tpu.memory_space<hbm>>
      %dma_start3A_132 = arith.constant 0 : i32
      %dma_start3A_133 = arith.constant 0 : i32
      %dma_start3A_134 = tpu.memref_slice %arg7[%run_scoped3A, %dma_start3A_132, %dma_start3A_133] : memref<2x16x64xi32, #tpu.memory_space<vmem>> -> memref<1x16x64xi32, #tpu.memory_space<vmem>>
      %dma_start3A_135 = tpu.memref_squeeze %dma_start3A_134 : memref<1x16x64xi32, #tpu.memory_space<vmem>> -> memref<16x64xi32, #tpu.memory_space<vmem>>
      %dma_start3A_136 = arith.constant 0 : i32
      %dma_start3A_137 = tpu.memref_slice %arg3[%multiple_of3A, %dma_start3A_136] : memref<5120x64xi32, #tpu.memory_space<hbm>> -> memref<16x64xi32, #tpu.memory_space<hbm>>
      tpu.enqueue_dma source(%dma_start3A_137 : memref<16x64xi32, #tpu.memory_space<hbm>>) target(%dma_start3A_135 : memref<16x64xi32, #tpu.memory_space<vmem>>) target_semaphore(%run_scoped3A_125 : memref<!tpu.dma_semaphore, #tpu.memory_space<semaphore_mem>>)
      %dma_wait3A_138 = arith.constant 0 : i32
      %dma_wait3A_139 = arith.constant 0 : i32
      %dma_wait3A_140 = tpu.memref_slice %arg7[%run_scoped3A, %dma_wait3A_138, %dma_wait3A_139] : memref<2x16x64xi32, #tpu.memory_space<vmem>> -> memref<1x16x64xi32, #tpu.memory_space<vmem>>
      %dma_wait3A_141 = tpu.memref_squeeze %dma_wait3A_140 : memref<1x16x64xi32, #tpu.memory_space<vmem>> -> memref<16x64xi32, #tpu.memory_space<vmem>>
      %dma_wait3A_142 = arith.constant 0 : i32
      %dma_wait3A_143 = tpu.memref_slice %arg3[%multiple_of3A, %dma_wait3A_142] : memref<5120x64xi32, #tpu.memory_space<hbm>> -> memref<16x64xi32, #tpu.memory_space<hbm>>
      %dma_wait3A_144 = arith.constant 0 : i32
      %dma_wait3A_145 = arith.constant 0 : i32
      %dma_wait3A_146 = tpu.memref_slice %arg7[%run_scoped3A, %dma_wait3A_144, %dma_wait3A_145] : memref<2x16x64xi32, #tpu.memory_space<vmem>> -> memref<1x16x64xi32, #tpu.memory_space<vmem>>
      %dma_wait3A_147 = tpu.memref_squeeze %dma_wait3A_146 : memref<1x16x64xi32, #tpu.memory_space<vmem>> -> memref<16x64xi32, #tpu.memory_space<vmem>>
      %dma_wait3A_148 = arith.constant 0 : i32
      %dma_wait3A_149 = tpu.memref_slice %arg3[%multiple_of3A, %dma_wait3A_148] : memref<5120x64xi32, #tpu.memory_space<hbm>> -> memref<16x64xi32, #tpu.memory_space<hbm>>
      tpu.wait_dma2 semaphore(%run_scoped3A_125 : memref<!tpu.dma_semaphore, #tpu.memory_space<semaphore_mem>>) src(%dma_wait3A_149 : memref<16x64xi32, #tpu.memory_space<hbm>>) dst(%dma_wait3A_147 : memref<16x64xi32, #tpu.memory_space<vmem>>)
      tpu.yield
    }) : () -> ()
    %run_scoped3A_6 = arith.constant 0 : i32
    "tpu.region"() ({
      %run_scoped3A_125 = tpu.sem_alloc : memref<!tpu.dma_semaphore, #tpu.memory_space<semaphore_mem>>
      %dma_start3A_126 = arith.constant 0 : i32
      %dma_start3A_127 = arith.constant 0 : i32
      %dma_start3A_128 = tpu.memref_slice %arg8[%run_scoped3A_6, %dma_start3A_126, %dma_start3A_127] : memref<2x16x64xi32, #tpu.memory_space<vmem>> -> memref<1x16x64xi32, #tpu.memory_space<vmem>>
      %dma_start3A_129 = tpu.memref_squeeze %dma_start3A_128 : memref<1x16x64xi32, #tpu.memory_space<vmem>> -> memref<16x64xi32, #tpu.memory_space<vmem>>
      %dma_start3A_130 = arith.constant 0 : i32
      %dma_start3A_131 = tpu.memref_slice %arg4[%multiple_of3A, %dma_start3A_130] : memref<5120x64xi32, #tpu.memory_space<hbm>> -> memref<16x64xi32, #tpu.memory_space<hbm>>
      %dma_start3A_132 = arith.constant 0 : i32
      %dma_start3A_133 = arith.constant 0 : i32
      %dma_start3A_134 = tpu.memref_slice %arg8[%run_scoped3A_6, %dma_start3A_132, %dma_start3A_133] : memref<2x16x64xi32, #tpu.memory_space<vmem>> -> memref<1x16x64xi32, #tpu.memory_space<vmem>>
      %dma_start3A_135 = tpu.memref_squeeze %dma_start3A_134 : memref<1x16x64xi32, #tpu.memory_space<vmem>> -> memref<16x64xi32, #tpu.memory_space<vmem>>
      %dma_start3A_136 = arith.constant 0 : i32
      %dma_start3A_137 = tpu.memref_slice %arg4[%multiple_of3A, %dma_start3A_136] : memref<5120x64xi32, #tpu.memory_space<hbm>> -> memref<16x64xi32, #tpu.memory_space<hbm>>
      tpu.enqueue_dma source(%dma_start3A_137 : memref<16x64xi32, #tpu.memory_space<hbm>>) target(%dma_start3A_135 : memref<16x64xi32, #tpu.memory_space<vmem>>) target_semaphore(%run_scoped3A_125 : memref<!tpu.dma_semaphore, #tpu.memory_space<semaphore_mem>>)
      %dma_wait3A_138 = arith.constant 0 : i32
      %dma_wait3A_139 = arith.constant 0 : i32
      %dma_wait3A_140 = tpu.memref_slice %arg8[%run_scoped3A_6, %dma_wait3A_138, %dma_wait3A_139] : memref<2x16x64xi32, #tpu.memory_space<vmem>> -> memref<1x16x64xi32, #tpu.memory_space<vmem>>
      %dma_wait3A_141 = tpu.memref_squeeze %dma_wait3A_140 : memref<1x16x64xi32, #tpu.memory_space<vmem>> -> memref<16x64xi32, #tpu.memory_space<vmem>>
      %dma_wait3A_142 = arith.constant 0 : i32
      %dma_wait3A_143 = tpu.memref_slice %arg4[%multiple_of3A, %dma_wait3A_142] : memref<5120x64xi32, #tpu.memory_space<hbm>> -> memref<16x64xi32, #tpu.memory_space<hbm>>
      %dma_wait3A_144 = arith.constant 0 : i32
      %dma_wait3A_145 = arith.constant 0 : i32
      %dma_wait3A_146 = tpu.memref_slice %arg8[%run_scoped3A_6, %dma_wait3A_144, %dma_wait3A_145] : memref<2x16x64xi32, #tpu.memory_space<vmem>> -> memref<1x16x64xi32, #tpu.memory_space<vmem>>
      %dma_wait3A_147 = tpu.memref_squeeze %dma_wait3A_146 : memref<1x16x64xi32, #tpu.memory_space<vmem>> -> memref<16x64xi32, #tpu.memory_space<vmem>>
      %dma_wait3A_148 = arith.constant 0 : i32
      %dma_wait3A_149 = tpu.memref_slice %arg4[%multiple_of3A, %dma_wait3A_148] : memref<5120x64xi32, #tpu.memory_space<hbm>> -> memref<16x64xi32, #tpu.memory_space<hbm>>
      tpu.wait_dma2 semaphore(%run_scoped3A_125 : memref<!tpu.dma_semaphore, #tpu.memory_space<semaphore_mem>>) src(%dma_wait3A_149 : memref<16x64xi32, #tpu.memory_space<hbm>>) dst(%dma_wait3A_147 : memref<16x64xi32, #tpu.memory_space<vmem>>)
      tpu.yield
    }) : () -> ()
    %dma_start3A_7 = arith.constant 0 : i32
    %dma_start3A_8 = arith.constant 0 : i32
    %dma_start3A_9 = arith.constant 0 : i32
    %dma_start3A_10 = arith.constant 0 : i32
    %dma_start3A_11 = arith.constant 0 : i32
    %dma_start3A_12 = tpu.memref_slice %arg9[%dma_start3A_9, %dma_start3A_10, %dma_start3A_11] : memref<5x64x64xi32, #tpu.memory_space<vmem>> -> memref<1x64x64xi32, #tpu.memory_space<vmem>>
    %dma_start3A_13 = tpu.memref_squeeze %dma_start3A_12 : memref<1x64x64xi32, #tpu.memory_space<vmem>> -> memref<64x64xi32, #tpu.memory_space<vmem>>
    %dma_start3A_14 = arith.constant 0 : i32
    %dma_start3A_15 = tpu.memref_slice %arg7[%dma_start3A_7, %dma_start3A_8, %dma_start3A_14] : memref<2x16x64xi32, #tpu.memory_space<vmem>> -> memref<1x1x64xi32, #tpu.memory_space<vmem>>
    %dma_start3A_16 = tpu.memref_squeeze %dma_start3A_15 : memref<1x1x64xi32, #tpu.memory_space<vmem>> -> memref<64xi32, #tpu.memory_space<vmem>>
    %dma_start3A_17 = arith.constant 0 : i32
    %dma_start3A_18 = arith.constant 0 : i32
    %dma_start3A_19 = tpu.memref_slice %arg2[%dma_start3A_17, %dma_start3A_18] : memref<10000x64xi32, #tpu.memory_space<hbm>> -> memref<10000x64xi32, #tpu.memory_space<hbm>>
    tpu.enqueue_indirect_dma source(%dma_start3A_19 : memref<10000x64xi32, #tpu.memory_space<hbm>>) target(%dma_start3A_13 : memref<64x64xi32, #tpu.memory_space<vmem>>) offsets(%dma_start3A_16 : memref<64xi32, #tpu.memory_space<vmem>>) semaphore(%arg13 : memref<!tpu.dma_semaphore, #tpu.memory_space<semaphore_mem>>)
    %dma_start3A_20 = arith.constant 0 : i32
    %dma_start3A_21 = arith.constant 1 : i32
    %dma_start3A_22 = arith.constant 1 : i32
    %dma_start3A_23 = arith.constant 0 : i32
    %dma_start3A_24 = arith.constant 0 : i32
    %dma_start3A_25 = tpu.memref_slice %arg9[%dma_start3A_22, %dma_start3A_23, %dma_start3A_24] : memref<5x64x64xi32, #tpu.memory_space<vmem>> -> memref<1x64x64xi32, #tpu.memory_space<vmem>>
    %dma_start3A_26 = tpu.memref_squeeze %dma_start3A_25 : memref<1x64x64xi32, #tpu.memory_space<vmem>> -> memref<64x64xi32, #tpu.memory_space<vmem>>
    %dma_start3A_27 = arith.constant 0 : i32
    %dma_start3A_28 = tpu.memref_slice %arg7[%dma_start3A_20, %dma_start3A_21, %dma_start3A_27] : memref<2x16x64xi32, #tpu.memory_space<vmem>> -> memref<1x1x64xi32, #tpu.memory_space<vmem>>
    %dma_start3A_29 = tpu.memref_squeeze %dma_start3A_28 : memref<1x1x64xi32, #tpu.memory_space<vmem>> -> memref<64xi32, #tpu.memory_space<vmem>>
    %dma_start3A_30 = arith.constant 0 : i32
    %dma_start3A_31 = arith.constant 0 : i32
    %dma_start3A_32 = tpu.memref_slice %arg2[%dma_start3A_30, %dma_start3A_31] : memref<10000x64xi32, #tpu.memory_space<hbm>> -> memref<10000x64xi32, #tpu.memory_space<hbm>>
    tpu.enqueue_indirect_dma source(%dma_start3A_32 : memref<10000x64xi32, #tpu.memory_space<hbm>>) target(%dma_start3A_26 : memref<64x64xi32, #tpu.memory_space<vmem>>) offsets(%dma_start3A_29 : memref<64xi32, #tpu.memory_space<vmem>>) semaphore(%arg13 : memref<!tpu.dma_semaphore, #tpu.memory_space<semaphore_mem>>)
    %dma_start3A_33 = arith.constant 0 : i32
    %dma_start3A_34 = arith.constant 2 : i32
    %dma_start3A_35 = arith.constant 2 : i32
    %dma_start3A_36 = arith.constant 0 : i32
    %dma_start3A_37 = arith.constant 0 : i32
    %dma_start3A_38 = tpu.memref_slice %arg9[%dma_start3A_35, %dma_start3A_36, %dma_start3A_37] : memref<5x64x64xi32, #tpu.memory_space<vmem>> -> memref<1x64x64xi32, #tpu.memory_space<vmem>>
    %dma_start3A_39 = tpu.memref_squeeze %dma_start3A_38 : memref<1x64x64xi32, #tpu.memory_space<vmem>> -> memref<64x64xi32, #tpu.memory_space<vmem>>
    %dma_start3A_40 = arith.constant 0 : i32
    %dma_start3A_41 = tpu.memref_slice %arg7[%dma_start3A_33, %dma_start3A_34, %dma_start3A_40] : memref<2x16x64xi32, #tpu.memory_space<vmem>> -> memref<1x1x64xi32, #tpu.memory_space<vmem>>
    %dma_start3A_42 = tpu.memref_squeeze %dma_start3A_41 : memref<1x1x64xi32, #tpu.memory_space<vmem>> -> memref<64xi32, #tpu.memory_space<vmem>>
    %dma_start3A_43 = arith.constant 0 : i32
    %dma_start3A_44 = arith.constant 0 : i32
    %dma_start3A_45 = tpu.memref_slice %arg2[%dma_start3A_43, %dma_start3A_44] : memref<10000x64xi32, #tpu.memory_space<hbm>> -> memref<10000x64xi32, #tpu.memory_space<hbm>>
    tpu.enqueue_indirect_dma source(%dma_start3A_45 : memref<10000x64xi32, #tpu.memory_space<hbm>>) target(%dma_start3A_39 : memref<64x64xi32, #tpu.memory_space<vmem>>) offsets(%dma_start3A_42 : memref<64xi32, #tpu.memory_space<vmem>>) semaphore(%arg13 : memref<!tpu.dma_semaphore, #tpu.memory_space<semaphore_mem>>)
    %dma_start3A_46 = arith.constant 0 : i32
    %dma_start3A_47 = arith.constant 3 : i32
    %dma_start3A_48 = arith.constant 3 : i32
    %dma_start3A_49 = arith.constant 0 : i32
    %dma_start3A_50 = arith.constant 0 : i32
    %dma_start3A_51 = tpu.memref_slice %arg9[%dma_start3A_48, %dma_start3A_49, %dma_start3A_50] : memref<5x64x64xi32, #tpu.memory_space<vmem>> -> memref<1x64x64xi32, #tpu.memory_space<vmem>>
    %dma_start3A_52 = tpu.memref_squeeze %dma_start3A_51 : memref<1x64x64xi32, #tpu.memory_space<vmem>> -> memref<64x64xi32, #tpu.memory_space<vmem>>
    %dma_start3A_53 = arith.constant 0 : i32
    %dma_start3A_54 = tpu.memref_slice %arg7[%dma_start3A_46, %dma_start3A_47, %dma_start3A_53] : memref<2x16x64xi32, #tpu.memory_space<vmem>> -> memref<1x1x64xi32, #tpu.memory_space<vmem>>
    %dma_start3A_55 = tpu.memref_squeeze %dma_start3A_54 : memref<1x1x64xi32, #tpu.memory_space<vmem>> -> memref<64xi32, #tpu.memory_space<vmem>>
    %dma_start3A_56 = arith.constant 0 : i32
    %dma_start3A_57 = arith.constant 0 : i32
    %dma_start3A_58 = tpu.memref_slice %arg2[%dma_start3A_56, %dma_start3A_57] : memref<10000x64xi32, #tpu.memory_space<hbm>> -> memref<10000x64xi32, #tpu.memory_space<hbm>>
    tpu.enqueue_indirect_dma source(%dma_start3A_58 : memref<10000x64xi32, #tpu.memory_space<hbm>>) target(%dma_start3A_52 : memref<64x64xi32, #tpu.memory_space<vmem>>) offsets(%dma_start3A_55 : memref<64xi32, #tpu.memory_space<vmem>>) semaphore(%arg13 : memref<!tpu.dma_semaphore, #tpu.memory_space<semaphore_mem>>)
    %dma_wait3A = arith.constant 0 : i32
    %dma_wait3A_59 = tpu.memref_slice %arg11[%mul3A_0, %dma_wait3A] : memref<10112x128xf32, #tpu.memory_space<vmem_shared>> -> memref<632x128xf32, #tpu.memory_space<vmem_shared>>
    tpu.wait_dma2 semaphore(%arg12 : memref<!tpu.dma_semaphore, #tpu.memory_space<semaphore_mem>>) src(%arg5 : memref<632x128xf32, #tpu.memory_space<hbm>>) dst(%dma_wait3A_59 : memref<632x128xf32, #tpu.memory_space<vmem_shared>>)
    %barrier3A = arith.constant 0 : index
    tpu.barrier barrier_id(%barrier3A)
    %scan3A = arith.constant 0 : i32
    %scan3A_60 = arith.constant 0 : i32
    %scan3A_61 = arith.constant 160 : i32
    %scan3A_62 = arith.addi %scan3A_60, %scan3A_61 : i32
    %scan3A_63 = arith.constant 1 : i32
    %scan3A_64 = scf.for %scan3A_125 = %scan3A_60 to %scan3A_62 step %scan3A_63 iter_args(%scan3A_126 = %scan3A) -> (i32)  : i32 {
      %jit3A = arith.constant 16 : i32
      %div3A = arith.divsi %scan3A_125, %jit3A : i32
      %sign3A = arith.constant 0 : i32
      %sign3A_127 = arith.cmpi sgt, %scan3A_125, %sign3A : i32
      %sign3A_128 = arith.extui %sign3A_127 : i1 to i32
      %sign3A_129 = arith.constant 0 : i32
      %sign3A_130 = arith.cmpi slt, %scan3A_125, %sign3A_129 : i32
      %sign3A_131 = arith.extui %sign3A_130 : i1 to i32
      %sign3A_132 = arith.subi %sign3A_128, %sign3A_131 : i32
      %sign3A_133 = arith.constant 0 : i32
      %sign3A_134 = arith.cmpi sgt, %jit3A, %sign3A_133 : i32
      %sign3A_135 = arith.extui %sign3A_134 : i1 to i32
      %sign3A_136 = arith.constant 0 : i32
      %sign3A_137 = arith.cmpi slt, %jit3A, %sign3A_136 : i32
      %sign3A_138 = arith.extui %sign3A_137 : i1 to i32
      %sign3A_139 = arith.subi %sign3A_135, %sign3A_138 : i32
      %ne3A = arith.cmpi ne, %sign3A_132, %sign3A_139 : i32
      %rem3A = arith.remsi %scan3A_125, %jit3A : i32
      %ne3A_140 = arith.constant 0 : i32
      %ne3A_141 = arith.cmpi ne, %rem3A, %ne3A_140 : i32
      %and3A = arith.andi %ne3A, %ne3A_141 : i1
      %sub3A = arith.constant 1 : i32
      %sub3A_142 = arith.subi %div3A, %sub3A : i32
      %select_n3A = arith.select %and3A, %sub3A_142, %div3A : i32
      %jit3A_143 = arith.constant 16 : i32
      %eq3A = arith.constant 0 : i32
      %eq3A_144 = arith.cmpi eq, %jit3A_143, %eq3A : i32
      %jit3A_145 = arith.constant 1 : i32
      %select_n3A_146 = arith.select %eq3A_144, %jit3A_145, %jit3A_143 : i32
      %rem3A_147 = arith.remsi %scan3A_125, %select_n3A_146 : i32
      %ne3A_148 = arith.constant 0 : i32
      %ne3A_149 = arith.cmpi ne, %rem3A_147, %ne3A_148 : i32
      %lt3A = arith.constant 0 : i32
      %lt3A_150 = arith.cmpi slt, %rem3A_147, %lt3A : i32
      %lt3A_151 = arith.constant 0 : i32
      %lt3A_152 = arith.cmpi slt, %select_n3A_146, %lt3A_151 : i32
      %ne3A_153 = arith.xori %lt3A_150, %lt3A_152 : i1
      %and3A_154 = arith.andi %ne3A_153, %ne3A_149 : i1
      %add3A_155 = arith.addi %rem3A_147, %select_n3A_146 : i32
      %select_n3A_156 = arith.select %and3A_154, %add3A_155, %rem3A_147 : i32
      %add3A_157 = arith.constant 1 : i32
      %add3A_158 = arith.addi %select_n3A, %add3A_157 : i32
      %lt3A_159 = arith.constant 10 : i32
      %lt3A_160 = arith.cmpi slt, %add3A_158, %lt3A_159 : i32
      %eq3A_161 = arith.constant 0 : i32
      %eq3A_162 = arith.cmpi eq, %select_n3A_156, %eq3A_161 : i32
      %and3A_163 = arith.andi %eq3A_162, %lt3A_160 : i1
      %convert_element_type3A = arith.extui %and3A_163 : i1 to i32
      %cond3A = arith.constant 0 : i32
      %cond3A_164 = arith.cmpi ne, %convert_element_type3A, %cond3A : i32
      scf.if %cond3A_164 {
        %add3A_221 = arith.constant 1 : i32
        %add3A_222 = arith.addi %select_n3A, %add3A_221 : i32
        %jit3A_223 = arith.constant 2 : i32
        %eq3A_224 = arith.constant 0 : i32
        %eq3A_225 = arith.cmpi eq, %jit3A_223, %eq3A_224 : i32
        %jit3A_226 = arith.constant 1 : i32
        %select_n3A_227 = arith.select %eq3A_225, %jit3A_226, %jit3A_223 : i32
        %rem3A_228 = arith.remsi %add3A_222, %select_n3A_227 : i32
        %ne3A_229 = arith.constant 0 : i32
        %ne3A_230 = arith.cmpi ne, %rem3A_228, %ne3A_229 : i32
        %lt3A_231 = arith.constant 0 : i32
        %lt3A_232 = arith.cmpi slt, %rem3A_228, %lt3A_231 : i32
        %lt3A_233 = arith.constant 0 : i32
        %lt3A_234 = arith.cmpi slt, %select_n3A_227, %lt3A_233 : i32
        %ne3A_235 = arith.xori %lt3A_232, %lt3A_234 : i1
        %and3A_236 = arith.andi %ne3A_235, %ne3A_230 : i1
        %add3A_237 = arith.addi %rem3A_228, %select_n3A_227 : i32
        %select_n3A_238 = arith.select %and3A_236, %add3A_237, %rem3A_228 : i32
        %add3A_239 = arith.constant 1 : i32
        %add3A_240 = arith.addi %select_n3A, %add3A_239 : i32
        %mul3A_241 = arith.constant 16 : i32
        %mul3A_242 = arith.muli %add3A_240, %mul3A_241 : i32
        %add3A_243 = arith.addi %multiple_of3A, %mul3A_242 : i32
        %multiple_of3A_244 = tpu.assume_multiple %add3A_243, 8 : i32
        %dma_start3A_245 = arith.constant 0 : i32
        %dma_start3A_246 = arith.constant 0 : i32
        %dma_start3A_247 = tpu.memref_slice %arg7[%select_n3A_238, %dma_start3A_245, %dma_start3A_246] : memref<2x16x64xi32, #tpu.memory_space<vmem>> -> memref<1x16x64xi32, #tpu.memory_space<vmem>>
        %dma_start3A_248 = tpu.memref_squeeze %dma_start3A_247 : memref<1x16x64xi32, #tpu.memory_space<vmem>> -> memref<16x64xi32, #tpu.memory_space<vmem>>
        %dma_start3A_249 = arith.constant 0 : i32
        %dma_start3A_250 = tpu.memref_slice %arg3[%multiple_of3A_244, %dma_start3A_249] : memref<5120x64xi32, #tpu.memory_space<hbm>> -> memref<16x64xi32, #tpu.memory_space<hbm>>
        %dma_start3A_251 = arith.constant 0 : i32
        %dma_start3A_252 = arith.constant 0 : i32
        %dma_start3A_253 = tpu.memref_slice %arg7[%select_n3A_238, %dma_start3A_251, %dma_start3A_252] : memref<2x16x64xi32, #tpu.memory_space<vmem>> -> memref<1x16x64xi32, #tpu.memory_space<vmem>>
        %dma_start3A_254 = tpu.memref_squeeze %dma_start3A_253 : memref<1x16x64xi32, #tpu.memory_space<vmem>> -> memref<16x64xi32, #tpu.memory_space<vmem>>
        %dma_start3A_255 = arith.constant 0 : i32
        %dma_start3A_256 = tpu.memref_slice %arg3[%multiple_of3A_244, %dma_start3A_255] : memref<5120x64xi32, #tpu.memory_space<hbm>> -> memref<16x64xi32, #tpu.memory_space<hbm>>
        tpu.enqueue_dma source(%dma_start3A_256 : memref<16x64xi32, #tpu.memory_space<hbm>>) target(%dma_start3A_254 : memref<16x64xi32, #tpu.memory_space<vmem>>) target_semaphore(%arg15 : memref<!tpu.dma_semaphore, #tpu.memory_space<semaphore_mem>>)
        %dma_start3A_257 = arith.constant 0 : i32
        %dma_start3A_258 = arith.constant 0 : i32
        %dma_start3A_259 = tpu.memref_slice %arg8[%select_n3A_238, %dma_start3A_257, %dma_start3A_258] : memref<2x16x64xi32, #tpu.memory_space<vmem>> -> memref<1x16x64xi32, #tpu.memory_space<vmem>>
        %dma_start3A_260 = tpu.memref_squeeze %dma_start3A_259 : memref<1x16x64xi32, #tpu.memory_space<vmem>> -> memref<16x64xi32, #tpu.memory_space<vmem>>
        %dma_start3A_261 = arith.constant 0 : i32
        %dma_start3A_262 = tpu.memref_slice %arg4[%multiple_of3A_244, %dma_start3A_261] : memref<5120x64xi32, #tpu.memory_space<hbm>> -> memref<16x64xi32, #tpu.memory_space<hbm>>
        %dma_start3A_263 = arith.constant 0 : i32
        %dma_start3A_264 = arith.constant 0 : i32
        %dma_start3A_265 = tpu.memref_slice %arg8[%select_n3A_238, %dma_start3A_263, %dma_start3A_264] : memref<2x16x64xi32, #tpu.memory_space<vmem>> -> memref<1x16x64xi32, #tpu.memory_space<vmem>>
        %dma_start3A_266 = tpu.memref_squeeze %dma_start3A_265 : memref<1x16x64xi32, #tpu.memory_space<vmem>> -> memref<16x64xi32, #tpu.memory_space<vmem>>
        %dma_start3A_267 = arith.constant 0 : i32
        %dma_start3A_268 = tpu.memref_slice %arg4[%multiple_of3A_244, %dma_start3A_267] : memref<5120x64xi32, #tpu.memory_space<hbm>> -> memref<16x64xi32, #tpu.memory_space<hbm>>
        tpu.enqueue_dma source(%dma_start3A_268 : memref<16x64xi32, #tpu.memory_space<hbm>>) target(%dma_start3A_266 : memref<16x64xi32, #tpu.memory_space<vmem>>) target_semaphore(%arg15 : memref<!tpu.dma_semaphore, #tpu.memory_space<semaphore_mem>>)
      } else {
      }
      %eq3A_165 = arith.constant 11 : i32
      %eq3A_166 = arith.cmpi eq, %select_n3A_156, %eq3A_165 : i32
      %and3A_167 = arith.andi %eq3A_166, %lt3A_160 : i1
      %convert_element_type3A_168 = arith.extui %and3A_167 : i1 to i32
      %cond3A_169 = arith.constant 0 : i32
      %cond3A_170 = arith.cmpi ne, %convert_element_type3A_168, %cond3A_169 : i32
      scf.if %cond3A_170 {
        %dma_wait3A_221 = arith.constant 0 : i32
        %dma_wait3A_222 = arith.constant 0 : i32
        %dma_wait3A_223 = arith.constant 0 : i32
        %dma_wait3A_224 = tpu.memref_slice %arg7[%dma_wait3A_221, %dma_wait3A_222, %dma_wait3A_223] : memref<2x16x64xi32, #tpu.memory_space<vmem>> -> memref<1x16x64xi32, #tpu.memory_space<vmem>>
        %dma_wait3A_225 = tpu.memref_squeeze %dma_wait3A_224 : memref<1x16x64xi32, #tpu.memory_space<vmem>> -> memref<16x64xi32, #tpu.memory_space<vmem>>
        %dma_wait3A_226 = arith.constant 0 : i32
        %dma_wait3A_227 = tpu.memref_slice %arg3[%multiple_of3A, %dma_wait3A_226] : memref<5120x64xi32, #tpu.memory_space<hbm>> -> memref<16x64xi32, #tpu.memory_space<hbm>>
        %dma_wait3A_228 = arith.constant 0 : i32
        %dma_wait3A_229 = arith.constant 0 : i32
        %dma_wait3A_230 = tpu.memref_slice %arg7[%dma_wait3A_221, %dma_wait3A_228, %dma_wait3A_229] : memref<2x16x64xi32, #tpu.memory_space<vmem>> -> memref<1x16x64xi32, #tpu.memory_space<vmem>>
        %dma_wait3A_231 = tpu.memref_squeeze %dma_wait3A_230 : memref<1x16x64xi32, #tpu.memory_space<vmem>> -> memref<16x64xi32, #tpu.memory_space<vmem>>
        %dma_wait3A_232 = arith.constant 0 : i32
        %dma_wait3A_233 = tpu.memref_slice %arg3[%multiple_of3A, %dma_wait3A_232] : memref<5120x64xi32, #tpu.memory_space<hbm>> -> memref<16x64xi32, #tpu.memory_space<hbm>>
        tpu.wait_dma2 semaphore(%arg15 : memref<!tpu.dma_semaphore, #tpu.memory_space<semaphore_mem>>) src(%dma_wait3A_233 : memref<16x64xi32, #tpu.memory_space<hbm>>) dst(%dma_wait3A_231 : memref<16x64xi32, #tpu.memory_space<vmem>>)
        %dma_wait3A_234 = arith.constant 0 : i32
        %dma_wait3A_235 = arith.constant 0 : i32
        %dma_wait3A_236 = arith.constant 0 : i32
        %dma_wait3A_237 = tpu.memref_slice %arg8[%dma_wait3A_234, %dma_wait3A_235, %dma_wait3A_236] : memref<2x16x64xi32, #tpu.memory_space<vmem>> -> memref<1x16x64xi32, #tpu.memory_space<vmem>>
        %dma_wait3A_238 = tpu.memref_squeeze %dma_wait3A_237 : memref<1x16x64xi32, #tpu.memory_space<vmem>> -> memref<16x64xi32, #tpu.memory_space<vmem>>
        %dma_wait3A_239 = arith.constant 0 : i32
        %dma_wait3A_240 = tpu.memref_slice %arg3[%multiple_of3A, %dma_wait3A_239] : memref<5120x64xi32, #tpu.memory_space<hbm>> -> memref<16x64xi32, #tpu.memory_space<hbm>>
        %dma_wait3A_241 = arith.constant 0 : i32
        %dma_wait3A_242 = arith.constant 0 : i32
        %dma_wait3A_243 = tpu.memref_slice %arg8[%dma_wait3A_234, %dma_wait3A_241, %dma_wait3A_242] : memref<2x16x64xi32, #tpu.memory_space<vmem>> -> memref<1x16x64xi32, #tpu.memory_space<vmem>>
        %dma_wait3A_244 = tpu.memref_squeeze %dma_wait3A_243 : memref<1x16x64xi32, #tpu.memory_space<vmem>> -> memref<16x64xi32, #tpu.memory_space<vmem>>
        %dma_wait3A_245 = arith.constant 0 : i32
        %dma_wait3A_246 = tpu.memref_slice %arg3[%multiple_of3A, %dma_wait3A_245] : memref<5120x64xi32, #tpu.memory_space<hbm>> -> memref<16x64xi32, #tpu.memory_space<hbm>>
        tpu.wait_dma2 semaphore(%arg15 : memref<!tpu.dma_semaphore, #tpu.memory_space<semaphore_mem>>) src(%dma_wait3A_246 : memref<16x64xi32, #tpu.memory_space<hbm>>) dst(%dma_wait3A_244 : memref<16x64xi32, #tpu.memory_space<vmem>>)
      } else {
      }
      %dma_wait3A_171 = arith.constant 0 : i32
      %dma_wait3A_172 = arith.constant 0 : i32
      %dma_wait3A_173 = arith.constant 0 : i32
      %dma_wait3A_174 = tpu.memref_slice %arg9[%dma_wait3A_171, %dma_wait3A_172, %dma_wait3A_173] : memref<5x64x64xi32, #tpu.memory_space<vmem>> -> memref<1x64x64xi32, #tpu.memory_space<vmem>>
      %dma_wait3A_175 = tpu.memref_squeeze %dma_wait3A_174 : memref<1x64x64xi32, #tpu.memory_space<vmem>> -> memref<64x64xi32, #tpu.memory_space<vmem>>
      %dma_wait3A_176 = arith.constant 0 : i32
      %dma_wait3A_177 = arith.constant 0 : i32
      %dma_wait3A_178 = tpu.memref_slice %arg2[%dma_wait3A_176, %dma_wait3A_177] : memref<10000x64xi32, #tpu.memory_space<hbm>> -> memref<64x64xi32, #tpu.memory_space<hbm>>
      %dma_wait3A_179 = arith.constant 0 : i32
      %dma_wait3A_180 = arith.constant 0 : i32
      %dma_wait3A_181 = tpu.memref_slice %arg9[%dma_wait3A_171, %dma_wait3A_179, %dma_wait3A_180] : memref<5x64x64xi32, #tpu.memory_space<vmem>> -> memref<1x64x64xi32, #tpu.memory_space<vmem>>
      %dma_wait3A_182 = tpu.memref_squeeze %dma_wait3A_181 : memref<1x64x64xi32, #tpu.memory_space<vmem>> -> memref<64x64xi32, #tpu.memory_space<vmem>>
      %dma_wait3A_183 = arith.constant 0 : i32
      %dma_wait3A_184 = arith.constant 0 : i32
      %dma_wait3A_185 = tpu.memref_slice %arg2[%dma_wait3A_183, %dma_wait3A_184] : memref<10000x64xi32, #tpu.memory_space<hbm>> -> memref<64x64xi32, #tpu.memory_space<hbm>>
      tpu.wait_dma2 semaphore(%arg13 : memref<!tpu.dma_semaphore, #tpu.memory_space<semaphore_mem>>) src(%dma_wait3A_185 : memref<64x64xi32, #tpu.memory_space<hbm>>) dst(%dma_wait3A_182 : memref<64x64xi32, #tpu.memory_space<vmem>>)
      %rem3A_186 = arith.constant 3 : i32
      %rem3A_187 = arith.remsi %scan3A_125, %rem3A_186 : i32
      %ge3A = arith.constant 3 : i32
      %ge3A_188 = arith.cmpi sge, %scan3A_125, %ge3A : i32
      %convert_element_type3A_189 = arith.extui %ge3A_188 : i1 to i32
      %cond3A_190 = arith.constant 0 : i32
      %cond3A_191 = arith.cmpi ne, %convert_element_type3A_189, %cond3A_190 : i32
      scf.if %cond3A_191 {
        %dma_wait3A_221 = arith.constant 0 : i32
        %dma_wait3A_222 = arith.constant 0 : i32
        %dma_wait3A_223 = arith.constant 0 : i32
        %dma_wait3A_224 = arith.constant 0 : i32
        %dma_wait3A_225 = tpu.memref_slice %arg10[%dma_wait3A_222, %dma_wait3A_223, %dma_wait3A_224] : memref<3x64x128xf32, #tpu.memory_space<vmem>> -> memref<1x64x128xf32, #tpu.memory_space<vmem>>
        %dma_wait3A_226 = tpu.memref_squeeze %dma_wait3A_225 : memref<1x64x128xf32, #tpu.memory_space<vmem>> -> memref<64x128xf32, #tpu.memory_space<vmem>>
        %dma_wait3A_227 = arith.constant 0 : i32
        %dma_wait3A_228 = arith.constant 0 : i32
        %dma_wait3A_229 = tpu.memref_slice %arg6[%dma_wait3A_221, %dma_wait3A_227, %dma_wait3A_228] : memref<2x10112x128xf32, #tpu.memory_space<hbm>> -> memref<1x64x128xf32, #tpu.memory_space<hbm>>
        %dma_wait3A_230 = tpu.memref_squeeze %dma_wait3A_229 : memref<1x64x128xf32, #tpu.memory_space<hbm>> -> memref<64x128xf32, #tpu.memory_space<hbm>>
        %dma_wait3A_231 = arith.constant 0 : i32
        %dma_wait3A_232 = arith.constant 0 : i32
        %dma_wait3A_233 = tpu.memref_slice %arg10[%dma_wait3A_222, %dma_wait3A_231, %dma_wait3A_232] : memref<3x64x128xf32, #tpu.memory_space<vmem>> -> memref<1x64x128xf32, #tpu.memory_space<vmem>>
        %dma_wait3A_234 = tpu.memref_squeeze %dma_wait3A_233 : memref<1x64x128xf32, #tpu.memory_space<vmem>> -> memref<64x128xf32, #tpu.memory_space<vmem>>
        %dma_wait3A_235 = arith.constant 0 : i32
        %dma_wait3A_236 = arith.constant 0 : i32
        %dma_wait3A_237 = tpu.memref_slice %arg6[%dma_wait3A_221, %dma_wait3A_235, %dma_wait3A_236] : memref<2x10112x128xf32, #tpu.memory_space<hbm>> -> memref<1x64x128xf32, #tpu.memory_space<hbm>>
        %dma_wait3A_238 = tpu.memref_squeeze %dma_wait3A_237 : memref<1x64x128xf32, #tpu.memory_space<hbm>> -> memref<64x128xf32, #tpu.memory_space<hbm>>
        tpu.wait_dma2 semaphore(%arg14 : memref<!tpu.dma_semaphore, #tpu.memory_space<semaphore_mem>>) src(%dma_wait3A_238 : memref<64x128xf32, #tpu.memory_space<hbm>>) dst(%dma_wait3A_234 : memref<64x128xf32, #tpu.memory_space<vmem>>)
      } else {
      }
      %rem3A_192 = arith.constant 5 : i32
      %rem3A_193 = arith.remsi %scan3A_125, %rem3A_192 : i32
      %scan3A_194 = arith.constant 0 : i32
      %scan3A_195 = arith.constant 0 : i32
      %scan3A_196 = arith.constant 64 : i32
      %scan3A_197 = arith.addi %scan3A_195, %scan3A_196 : i32
      %scan3A_198 = arith.constant 1 : i32
      %scan3A_199 = scf.for %scan3A_221 = %scan3A_195 to %scan3A_197 step %scan3A_198 iter_args(%scan3A_222 = %scan3A_194) -> (i32)  : i32 {
        %get3A = arith.index_cast %rem3A_193 : i32 to index
        %get3A_223 = arith.index_cast %scan3A_221 : i32 to index
        %get3A_224 = arith.constant 0 : index
        %get3A_225 = tpu.vector_load %arg9[%get3A, %get3A_223, %get3A_224] {strides = array<i32>} : memref<5x64x64xi32, #tpu.memory_space<vmem>>, vector<1x1x16xi32>,
        %get3A_226 = vector.shape_cast %get3A_225 : vector<1x1x16xi32> to vector<16xi32>
        %shift_left3A = arith.constant 16 : i32
        %shift_left3A_227 = vector.broadcast %shift_left3A : i32 to vector<16xi32>
        %shift_left3A_228 = arith.shli %get3A_226, %shift_left3A_227 : vector<16xi32>
        %bitcast_convert_type3A = tpu.bitcast %shift_left3A_228 : vector<16xi32> -> vector<16xf32>
        %and3A_229 = arith.constant -65536 : i32
        %and3A_230 = vector.broadcast %and3A_229 : i32 to vector<16xi32>
        %and3A_231 = arith.andi %get3A_226, %and3A_230 : vector<16xi32>
        %bitcast_convert_type3A_232 = tpu.bitcast %and3A_231 : vector<16xi32> -> vector<16xf32>
        %swap3A = arith.index_cast %rem3A_187 : i32 to index
        %swap3A_233 = arith.index_cast %scan3A_221 : i32 to index
        %swap3A_234 = arith.constant 0 : index
        %swap3A_235 = tpu.vector_load %arg10[%swap3A, %swap3A_233, %swap3A_234] {strides = array<i32>} : memref<3x64x128xf32, #tpu.memory_space<vmem>>, vector<1x1x16xf32>,
        %swap3A_236 = vector.shape_cast %swap3A_235 : vector<1x1x16xf32> to vector<16xf32>
        %swap3A_237 = vector.shape_cast %bitcast_convert_type3A : vector<16xf32> to vector<1x1x16xf32>
        tpu.vector_store %arg10[%swap3A, %swap3A_233, %swap3A_234], %swap3A_237 {strides = array<i32>} : memref<3x64x128xf32, #tpu.memory_space<vmem>>, vector<1x1x16xf32>,
        %swap3A_238 = arith.index_cast %rem3A_187 : i32 to index
        %swap3A_239 = arith.index_cast %scan3A_221 : i32 to index
        %swap3A_240 = arith.constant 16 : index
        %swap3A_241 = tpu.vector_load %arg10[%swap3A_238, %swap3A_239, %swap3A_240] {strides = array<i32>} : memref<3x64x128xf32, #tpu.memory_space<vmem>>, vector<1x1x16xf32>,
        %swap3A_242 = vector.shape_cast %swap3A_241 : vector<1x1x16xf32> to vector<16xf32>
        %swap3A_243 = vector.shape_cast %bitcast_convert_type3A_232 : vector<16xf32> to vector<1x1x16xf32>
        tpu.vector_store %arg10[%swap3A_238, %swap3A_239, %swap3A_240], %swap3A_243 {strides = array<i32>} : memref<3x64x128xf32, #tpu.memory_space<vmem>>, vector<1x1x16xf32>,
        %get3A_244 = arith.index_cast %rem3A_193 : i32 to index
        %get3A_245 = arith.index_cast %scan3A_221 : i32 to index
        %get3A_246 = arith.constant 16 : index
        %get3A_247 = tpu.vector_load %arg9[%get3A_244, %get3A_245, %get3A_246] {strides = array<i32>} : memref<5x64x64xi32, #tpu.memory_space<vmem>>, vector<1x1x16xi32>,
        %get3A_248 = vector.shape_cast %get3A_247 : vector<1x1x16xi32> to vector<16xi32>
        %shift_left3A_249 = arith.constant 16 : i32
        %shift_left3A_250 = vector.broadcast %shift_left3A_249 : i32 to vector<16xi32>
        %shift_left3A_251 = arith.shli %get3A_248, %shift_left3A_250 : vector<16xi32>
        %bitcast_convert_type3A_252 = tpu.bitcast %shift_left3A_251 : vector<16xi32> -> vector<16xf32>
        %and3A_253 = arith.constant -65536 : i32
        %and3A_254 = vector.broadcast %and3A_253 : i32 to vector<16xi32>
        %and3A_255 = arith.andi %get3A_248, %and3A_254 : vector<16xi32>
        %bitcast_convert_type3A_256 = tpu.bitcast %and3A_255 : vector<16xi32> -> vector<16xf32>
        %swap3A_257 = arith.index_cast %rem3A_187 : i32 to index
        %swap3A_258 = arith.index_cast %scan3A_221 : i32 to index
        %swap3A_259 = arith.constant 32 : index
        %swap3A_260 = tpu.vector_load %arg10[%swap3A_257, %swap3A_258, %swap3A_259] {strides = array<i32>} : memref<3x64x128xf32, #tpu.memory_space<vmem>>, vector<1x1x16xf32>,
        %swap3A_261 = vector.shape_cast %swap3A_260 : vector<1x1x16xf32> to vector<16xf32>
        %swap3A_262 = vector.shape_cast %bitcast_convert_type3A_252 : vector<16xf32> to vector<1x1x16xf32>
        tpu.vector_store %arg10[%swap3A_257, %swap3A_258, %swap3A_259], %swap3A_262 {strides = array<i32>} : memref<3x64x128xf32, #tpu.memory_space<vmem>>, vector<1x1x16xf32>,
        %swap3A_263 = arith.index_cast %rem3A_187 : i32 to index
        %swap3A_264 = arith.index_cast %scan3A_221 : i32 to index
        %swap3A_265 = arith.constant 48 : index
        %swap3A_266 = tpu.vector_load %arg10[%swap3A_263, %swap3A_264, %swap3A_265] {strides = array<i32>} : memref<3x64x128xf32, #tpu.memory_space<vmem>>, vector<1x1x16xf32>,
        %swap3A_267 = vector.shape_cast %swap3A_266 : vector<1x1x16xf32> to vector<16xf32>
        %swap3A_268 = vector.shape_cast %bitcast_convert_type3A_256 : vector<16xf32> to vector<1x1x16xf32>
        tpu.vector_store %arg10[%swap3A_263, %swap3A_264, %swap3A_265], %swap3A_268 {strides = array<i32>} : memref<3x64x128xf32, #tpu.memory_space<vmem>>, vector<1x1x16xf32>,
        %get3A_269 = arith.index_cast %rem3A_193 : i32 to index
        %get3A_270 = arith.index_cast %scan3A_221 : i32 to index
        %get3A_271 = arith.constant 32 : index
        %get3A_272 = tpu.vector_load %arg9[%get3A_269, %get3A_270, %get3A_271] {strides = array<i32>} : memref<5x64x64xi32, #tpu.memory_space<vmem>>, vector<1x1x16xi32>,
        %get3A_273 = vector.shape_cast %get3A_272 : vector<1x1x16xi32> to vector<16xi32>
        %shift_left3A_274 = arith.constant 16 : i32
        %shift_left3A_275 = vector.broadcast %shift_left3A_274 : i32 to vector<16xi32>
        %shift_left3A_276 = arith.shli %get3A_273, %shift_left3A_275 : vector<16xi32>
        %bitcast_convert_type3A_277 = tpu.bitcast %shift_left3A_276 : vector<16xi32> -> vector<16xf32>
        %and3A_278 = arith.constant -65536 : i32
        %and3A_279 = vector.broadcast %and3A_278 : i32 to vector<16xi32>
        %and3A_280 = arith.andi %get3A_273, %and3A_279 : vector<16xi32>
        %bitcast_convert_type3A_281 = tpu.bitcast %and3A_280 : vector<16xi32> -> vector<16xf32>
        %swap3A_282 = arith.index_cast %rem3A_187 : i32 to index
        %swap3A_283 = arith.index_cast %scan3A_221 : i32 to index
        %swap3A_284 = arith.constant 64 : index
        %swap3A_285 = tpu.vector_load %arg10[%swap3A_282, %swap3A_283, %swap3A_284] {strides = array<i32>} : memref<3x64x128xf32, #tpu.memory_space<vmem>>, vector<1x1x16xf32>,
        %swap3A_286 = vector.shape_cast %swap3A_285 : vector<1x1x16xf32> to vector<16xf32>
        %swap3A_287 = vector.shape_cast %bitcast_convert_type3A_277 : vector<16xf32> to vector<1x1x16xf32>
        tpu.vector_store %arg10[%swap3A_282, %swap3A_283, %swap3A_284], %swap3A_287 {strides = array<i32>} : memref<3x64x128xf32, #tpu.memory_space<vmem>>, vector<1x1x16xf32>,
        %swap3A_288 = arith.index_cast %rem3A_187 : i32 to index
        %swap3A_289 = arith.index_cast %scan3A_221 : i32 to index
        %swap3A_290 = arith.constant 80 : index
        %swap3A_291 = tpu.vector_load %arg10[%swap3A_288, %swap3A_289, %swap3A_290] {strides = array<i32>} : memref<3x64x128xf32, #tpu.memory_space<vmem>>, vector<1x1x16xf32>,
        %swap3A_292 = vector.shape_cast %swap3A_291 : vector<1x1x16xf32> to vector<16xf32>
        %swap3A_293 = vector.shape_cast %bitcast_convert_type3A_281 : vector<16xf32> to vector<1x1x16xf32>
        tpu.vector_store %arg10[%swap3A_288, %swap3A_289, %swap3A_290], %swap3A_293 {strides = array<i32>} : memref<3x64x128xf32, #tpu.memory_space<vmem>>, vector<1x1x16xf32>,
        %get3A_294 = arith.index_cast %rem3A_193 : i32 to index
        %get3A_295 = arith.index_cast %scan3A_221 : i32 to index
        %get3A_296 = arith.constant 48 : index
        %get3A_297 = tpu.vector_load %arg9[%get3A_294, %get3A_295, %get3A_296] {strides = array<i32>} : memref<5x64x64xi32, #tpu.memory_space<vmem>>, vector<1x1x16xi32>,
        %get3A_298 = vector.shape_cast %get3A_297 : vector<1x1x16xi32> to vector<16xi32>
        %shift_left3A_299 = arith.constant 16 : i32
        %shift_left3A_300 = vector.broadcast %shift_left3A_299 : i32 to vector<16xi32>
        %shift_left3A_301 = arith.shli %get3A_298, %shift_left3A_300 : vector<16xi32>
        %bitcast_convert_type3A_302 = tpu.bitcast %shift_left3A_301 : vector<16xi32> -> vector<16xf32>
        %and3A_303 = arith.constant -65536 : i32
        %and3A_304 = vector.broadcast %and3A_303 : i32 to vector<16xi32>
        %and3A_305 = arith.andi %get3A_298, %and3A_304 : vector<16xi32>
        %bitcast_convert_type3A_306 = tpu.bitcast %and3A_305 : vector<16xi32> -> vector<16xf32>
        %swap3A_307 = arith.index_cast %rem3A_187 : i32 to index
        %swap3A_308 = arith.index_cast %scan3A_221 : i32 to index
        %swap3A_309 = arith.constant 96 : index
        %swap3A_310 = tpu.vector_load %arg10[%swap3A_307, %swap3A_308, %swap3A_309] {strides = array<i32>} : memref<3x64x128xf32, #tpu.memory_space<vmem>>, vector<1x1x16xf32>,
        %swap3A_311 = vector.shape_cast %swap3A_310 : vector<1x1x16xf32> to vector<16xf32>
        %swap3A_312 = vector.shape_cast %bitcast_convert_type3A_302 : vector<16xf32> to vector<1x1x16xf32>
        tpu.vector_store %arg10[%swap3A_307, %swap3A_308, %swap3A_309], %swap3A_312 {strides = array<i32>} : memref<3x64x128xf32, #tpu.memory_space<vmem>>, vector<1x1x16xf32>,
        %swap3A_313 = arith.index_cast %rem3A_187 : i32 to index
        %swap3A_314 = arith.index_cast %scan3A_221 : i32 to index
        %swap3A_315 = arith.constant 112 : index
        %swap3A_316 = tpu.vector_load %arg10[%swap3A_313, %swap3A_314, %swap3A_315] {strides = array<i32>} : memref<3x64x128xf32, #tpu.memory_space<vmem>>, vector<1x1x16xf32>,
        %swap3A_317 = vector.shape_cast %swap3A_316 : vector<1x1x16xf32> to vector<16xf32>
        %swap3A_318 = vector.shape_cast %bitcast_convert_type3A_306 : vector<16xf32> to vector<1x1x16xf32>
        tpu.vector_store %arg10[%swap3A_313, %swap3A_314, %swap3A_315], %swap3A_318 {strides = array<i32>} : memref<3x64x128xf32, #tpu.memory_space<vmem>>, vector<1x1x16xf32>,
        %scan3A_319 = arith.constant 0 : i32
        scf.yield %scan3A_319 : i32
      }
      %scan3A_200 = arith.constant 64 : i32
      %rem3A_201 = arith.constant 2 : i32
      %rem3A_202 = arith.remsi %select_n3A, %rem3A_201 : i32
      %dma_start3A_203 = arith.constant 0 : i32
      %dma_start3A_204 = arith.constant 0 : i32
      %dma_start3A_205 = tpu.memref_slice %arg10[%rem3A_187, %dma_start3A_203, %dma_start3A_204] : memref<3x64x128xf32, #tpu.memory_space<vmem>> -> memref<1x64x128xf32, #tpu.memory_space<vmem>>
      %dma_start3A_206 = tpu.memref_squeeze %dma_start3A_205 : memref<1x64x128xf32, #tpu.memory_space<vmem>> -> memref<64x128xf32, #tpu.memory_space<vmem>>
      %dma_start3A_207 = arith.constant 0 : i32
      %dma_start3A_208 = tpu.memref_slice %arg8[%rem3A_202, %select_n3A_156, %dma_start3A_207] : memref<2x16x64xi32, #tpu.memory_space<vmem>> -> memref<1x1x64xi32, #tpu.memory_space<vmem>>
      %dma_start3A_209 = tpu.memref_squeeze %dma_start3A_208 : memref<1x1x64xi32, #tpu.memory_space<vmem>> -> memref<64xi32, #tpu.memory_space<vmem>>
      %dma_start3A_210 = arith.constant 0 : i32
      %dma_start3A_211 = arith.constant 0 : i32
      %dma_start3A_212 = tpu.memref_slice %arg11[%dma_start3A_210, %dma_start3A_211] : memref<10112x128xf32, #tpu.memory_space<vmem_shared>> -> memref<10112x128xf32, #tpu.memory_space<vmem_shared>>
      tpu.enqueue_indirect_dma source(%dma_start3A_206 : memref<64x128xf32, #tpu.memory_space<vmem>>) target(%dma_start3A_212 : memref<10112x128xf32, #tpu.memory_space<vmem_shared>>) offsets(%dma_start3A_209 : memref<64xi32, #tpu.memory_space<vmem>>) semaphore(%arg14 : memref<!tpu.dma_semaphore, #tpu.memory_space<semaphore_mem>>) {add = true}
      %add3A_213 = arith.constant 4 : i32
      %add3A_214 = arith.addi %scan3A_125, %add3A_213 : i32
      %lt3A_215 = arith.constant 160 : i32
      %lt3A_216 = arith.cmpi slt, %add3A_214, %lt3A_215 : i32
      %convert_element_type3A_217 = arith.extui %lt3A_216 : i1 to i32
      %cond3A_218 = arith.constant 0 : i32
      %cond3A_219 = arith.cmpi ne, %convert_element_type3A_217, %cond3A_218 : i32
      scf.if %cond3A_219 {
        %add3A_221 = arith.constant 4 : i32
        %add3A_222 = arith.addi %scan3A_125, %add3A_221 : i32
        %jit3A_223 = arith.constant 16 : i32
        %div3A_224 = arith.divsi %add3A_222, %jit3A_223 : i32
        %sign3A_225 = arith.constant 0 : i32
        %sign3A_226 = arith.cmpi sgt, %add3A_222, %sign3A_225 : i32
        %sign3A_227 = arith.extui %sign3A_226 : i1 to i32
        %sign3A_228 = arith.constant 0 : i32
        %sign3A_229 = arith.cmpi slt, %add3A_222, %sign3A_228 : i32
        %sign3A_230 = arith.extui %sign3A_229 : i1 to i32
        %sign3A_231 = arith.subi %sign3A_227, %sign3A_230 : i32
        %sign3A_232 = arith.constant 0 : i32
        %sign3A_233 = arith.cmpi sgt, %jit3A_223, %sign3A_232 : i32
        %sign3A_234 = arith.extui %sign3A_233 : i1 to i32
        %sign3A_235 = arith.constant 0 : i32
        %sign3A_236 = arith.cmpi slt, %jit3A_223, %sign3A_235 : i32
        %sign3A_237 = arith.extui %sign3A_236 : i1 to i32
        %sign3A_238 = arith.subi %sign3A_234, %sign3A_237 : i32
        %ne3A_239 = arith.cmpi ne, %sign3A_231, %sign3A_238 : i32
        %rem3A_240 = arith.remsi %add3A_222, %jit3A_223 : i32
        %ne3A_241 = arith.constant 0 : i32
        %ne3A_242 = arith.cmpi ne, %rem3A_240, %ne3A_241 : i32
        %and3A_243 = arith.andi %ne3A_239, %ne3A_242 : i1
        %sub3A_244 = arith.constant 1 : i32
        %sub3A_245 = arith.subi %div3A_224, %sub3A_244 : i32
        %select_n3A_246 = arith.select %and3A_243, %sub3A_245, %div3A_224 : i32
        %rem3A_247 = arith.constant 2 : i32
        %rem3A_248 = arith.remsi %select_n3A_246, %rem3A_247 : i32
        %rem3A_249 = arith.constant 16 : i32
        %rem3A_250 = arith.remsi %add3A_222, %rem3A_249 : i32
        %rem3A_251 = arith.constant 5 : i32
        %rem3A_252 = arith.remsi %add3A_222, %rem3A_251 : i32
        %dma_start3A_253 = arith.constant 0 : i32
        %dma_start3A_254 = arith.constant 0 : i32
        %dma_start3A_255 = tpu.memref_slice %arg9[%rem3A_252, %dma_start3A_253, %dma_start3A_254] : memref<5x64x64xi32, #tpu.memory_space<vmem>> -> memref<1x64x64xi32, #tpu.memory_space<vmem>>
        %dma_start3A_256 = tpu.memref_squeeze %dma_start3A_255 : memref<1x64x64xi32, #tpu.memory_space<vmem>> -> memref<64x64xi32, #tpu.memory_space<vmem>>
        %dma_start3A_257 = arith.constant 0 : i32
        %dma_start3A_258 = tpu.memref_slice %arg7[%rem3A_248, %rem3A_250, %dma_start3A_257] : memref<2x16x64xi32, #tpu.memory_space<vmem>> -> memref<1x1x64xi32, #tpu.memory_space<vmem>>
        %dma_start3A_259 = tpu.memref_squeeze %dma_start3A_258 : memref<1x1x64xi32, #tpu.memory_space<vmem>> -> memref<64xi32, #tpu.memory_space<vmem>>
        %dma_start3A_260 = arith.constant 0 : i32
        %dma_start3A_261 = arith.constant 0 : i32
        %dma_start3A_262 = tpu.memref_slice %arg2[%dma_start3A_260, %dma_start3A_261] : memref<10000x64xi32, #tpu.memory_space<hbm>> -> memref<10000x64xi32, #tpu.memory_space<hbm>>
        tpu.enqueue_indirect_dma source(%dma_start3A_262 : memref<10000x64xi32, #tpu.memory_space<hbm>>) target(%dma_start3A_256 : memref<64x64xi32, #tpu.memory_space<vmem>>) offsets(%dma_start3A_259 : memref<64xi32, #tpu.memory_space<vmem>>) semaphore(%arg13 : memref<!tpu.dma_semaphore, #tpu.memory_space<semaphore_mem>>)
      } else {
      }
      %scan3A_220 = arith.constant 0 : i32
      scf.yield %scan3A_220 : i32
    }
    %scan3A_65 = arith.constant 160 : i32
    %dma_wait3A_66 = arith.constant 0 : i32
    %dma_wait3A_67 = arith.constant 0 : i32
    %dma_wait3A_68 = arith.constant 0 : i32
    %dma_wait3A_69 = arith.constant 0 : i32
    %dma_wait3A_70 = tpu.memref_slice %arg10[%dma_wait3A_67, %dma_wait3A_68, %dma_wait3A_69] : memref<3x64x128xf32, #tpu.memory_space<vmem>> -> memref<1x64x128xf32, #tpu.memory_space<vmem>>
    %dma_wait3A_71 = tpu.memref_squeeze %dma_wait3A_70 : memref<1x64x128xf32, #tpu.memory_space<vmem>> -> memref<64x128xf32, #tpu.memory_space<vmem>>
    %dma_wait3A_72 = arith.constant 0 : i32
    %dma_wait3A_73 = arith.constant 0 : i32
    %dma_wait3A_74 = tpu.memref_slice %arg6[%dma_wait3A_66, %dma_wait3A_72, %dma_wait3A_73] : memref<2x10112x128xf32, #tpu.memory_space<hbm>> -> memref<1x64x128xf32, #tpu.memory_space<hbm>>
    %dma_wait3A_75 = tpu.memref_squeeze %dma_wait3A_74 : memref<1x64x128xf32, #tpu.memory_space<hbm>> -> memref<64x128xf32, #tpu.memory_space<hbm>>
    %dma_wait3A_76 = arith.constant 0 : i32
    %dma_wait3A_77 = arith.constant 0 : i32
    %dma_wait3A_78 = tpu.memref_slice %arg10[%dma_wait3A_67, %dma_wait3A_76, %dma_wait3A_77] : memref<3x64x128xf32, #tpu.memory_space<vmem>> -> memref<1x64x128xf32, #tpu.memory_space<vmem>>
    %dma_wait3A_79 = tpu.memref_squeeze %dma_wait3A_78 : memref<1x64x128xf32, #tpu.memory_space<vmem>> -> memref<64x128xf32, #tpu.memory_space<vmem>>
    %dma_wait3A_80 = arith.constant 0 : i32
    %dma_wait3A_81 = arith.constant 0 : i32
    %dma_wait3A_82 = tpu.memref_slice %arg6[%dma_wait3A_66, %dma_wait3A_80, %dma_wait3A_81] : memref<2x10112x128xf32, #tpu.memory_space<hbm>> -> memref<1x64x128xf32, #tpu.memory_space<hbm>>
    %dma_wait3A_83 = tpu.memref_squeeze %dma_wait3A_82 : memref<1x64x128xf32, #tpu.memory_space<hbm>> -> memref<64x128xf32, #tpu.memory_space<hbm>>
    tpu.wait_dma2 semaphore(%arg14 : memref<!tpu.dma_semaphore, #tpu.memory_space<semaphore_mem>>) src(%dma_wait3A_83 : memref<64x128xf32, #tpu.memory_space<hbm>>) dst(%dma_wait3A_79 : memref<64x128xf32, #tpu.memory_space<vmem>>)
    %dma_wait3A_84 = arith.constant 0 : i32
    %dma_wait3A_85 = arith.constant 0 : i32
    %dma_wait3A_86 = arith.constant 0 : i32
    %dma_wait3A_87 = arith.constant 0 : i32
    %dma_wait3A_88 = tpu.memref_slice %arg10[%dma_wait3A_85, %dma_wait3A_86, %dma_wait3A_87] : memref<3x64x128xf32, #tpu.memory_space<vmem>> -> memref<1x64x128xf32, #tpu.memory_space<vmem>>
    %dma_wait3A_89 = tpu.memref_squeeze %dma_wait3A_88 : memref<1x64x128xf32, #tpu.memory_space<vmem>> -> memref<64x128xf32, #tpu.memory_space<vmem>>
    %dma_wait3A_90 = arith.constant 0 : i32
    %dma_wait3A_91 = arith.constant 0 : i32
    %dma_wait3A_92 = tpu.memref_slice %arg6[%dma_wait3A_84, %dma_wait3A_90, %dma_wait3A_91] : memref<2x10112x128xf32, #tpu.memory_space<hbm>> -> memref<1x64x128xf32, #tpu.memory_space<hbm>>
    %dma_wait3A_93 = tpu.memref_squeeze %dma_wait3A_92 : memref<1x64x128xf32, #tpu.memory_space<hbm>> -> memref<64x128xf32, #tpu.memory_space<hbm>>
    %dma_wait3A_94 = arith.constant 0 : i32
    %dma_wait3A_95 = arith.constant 0 : i32
    %dma_wait3A_96 = tpu.memref_slice %arg10[%dma_wait3A_85, %dma_wait3A_94, %dma_wait3A_95] : memref<3x64x128xf32, #tpu.memory_space<vmem>> -> memref<1x64x128xf32, #tpu.memory_space<vmem>>
    %dma_wait3A_97 = tpu.memref_squeeze %dma_wait3A_96 : memref<1x64x128xf32, #tpu.memory_space<vmem>> -> memref<64x128xf32, #tpu.memory_space<vmem>>
    %dma_wait3A_98 = arith.constant 0 : i32
    %dma_wait3A_99 = arith.constant 0 : i32
    %dma_wait3A_100 = tpu.memref_slice %arg6[%dma_wait3A_84, %dma_wait3A_98, %dma_wait3A_99] : memref<2x10112x128xf32, #tpu.memory_space<hbm>> -> memref<1x64x128xf32, #tpu.memory_space<hbm>>
    %dma_wait3A_101 = tpu.memref_squeeze %dma_wait3A_100 : memref<1x64x128xf32, #tpu.memory_space<hbm>> -> memref<64x128xf32, #tpu.memory_space<hbm>>
    tpu.wait_dma2 semaphore(%arg14 : memref<!tpu.dma_semaphore, #tpu.memory_space<semaphore_mem>>) src(%dma_wait3A_101 : memref<64x128xf32, #tpu.memory_space<hbm>>) dst(%dma_wait3A_97 : memref<64x128xf32, #tpu.memory_space<vmem>>)
    %dma_wait3A_102 = arith.constant 0 : i32
    %dma_wait3A_103 = arith.constant 0 : i32
    %dma_wait3A_104 = arith.constant 0 : i32
    %dma_wait3A_105 = arith.constant 0 : i32
    %dma_wait3A_106 = tpu.memref_slice %arg10[%dma_wait3A_103, %dma_wait3A_104, %dma_wait3A_105] : memref<3x64x128xf32, #tpu.memory_space<vmem>> -> memref<1x64x128xf32, #tpu.memory_space<vmem>>
    %dma_wait3A_107 = tpu.memref_squeeze %dma_wait3A_106 : memref<1x64x128xf32, #tpu.memory_space<vmem>> -> memref<64x128xf32, #tpu.memory_space<vmem>>
    %dma_wait3A_108 = arith.constant 0 : i32
    %dma_wait3A_109 = arith.constant 0 : i32
    %dma_wait3A_110 = tpu.memref_slice %arg6[%dma_wait3A_102, %dma_wait3A_108, %dma_wait3A_109] : memref<2x10112x128xf32, #tpu.memory_space<hbm>> -> memref<1x64x128xf32, #tpu.memory_space<hbm>>
    %dma_wait3A_111 = tpu.memref_squeeze %dma_wait3A_110 : memref<1x64x128xf32, #tpu.memory_space<hbm>> -> memref<64x128xf32, #tpu.memory_space<hbm>>
    %dma_wait3A_112 = arith.constant 0 : i32
    %dma_wait3A_113 = arith.constant 0 : i32
    %dma_wait3A_114 = tpu.memref_slice %arg10[%dma_wait3A_103, %dma_wait3A_112, %dma_wait3A_113] : memref<3x64x128xf32, #tpu.memory_space<vmem>> -> memref<1x64x128xf32, #tpu.memory_space<vmem>>
    %dma_wait3A_115 = tpu.memref_squeeze %dma_wait3A_114 : memref<1x64x128xf32, #tpu.memory_space<vmem>> -> memref<64x128xf32, #tpu.memory_space<vmem>>
    %dma_wait3A_116 = arith.constant 0 : i32
    %dma_wait3A_117 = arith.constant 0 : i32
    %dma_wait3A_118 = tpu.memref_slice %arg6[%dma_wait3A_102, %dma_wait3A_116, %dma_wait3A_117] : memref<2x10112x128xf32, #tpu.memory_space<hbm>> -> memref<1x64x128xf32, #tpu.memory_space<hbm>>
    %dma_wait3A_119 = tpu.memref_squeeze %dma_wait3A_118 : memref<1x64x128xf32, #tpu.memory_space<hbm>> -> memref<64x128xf32, #tpu.memory_space<hbm>>
    tpu.wait_dma2 semaphore(%arg14 : memref<!tpu.dma_semaphore, #tpu.memory_space<semaphore_mem>>) src(%dma_wait3A_119 : memref<64x128xf32, #tpu.memory_space<hbm>>) dst(%dma_wait3A_115 : memref<64x128xf32, #tpu.memory_space<vmem>>)
    %barrier3A_120 = arith.constant 0 : index
    tpu.barrier barrier_id(%barrier3A_120)
    %mul3A_121 = arith.constant 632 : i32
    %mul3A_122 = arith.muli %arg1, %mul3A_121 : i32
    %mul3A_123 = arith.constant 632 : i32
    %mul3A_124 = arith.muli %arg1, %mul3A_123 : i32
    "tpu.region"() ({
      %run_scoped3A_125 = tpu.sem_alloc : memref<!tpu.dma_semaphore, #tpu.memory_space<semaphore_mem>>
      %dma_start3A_126 = arith.constant 0 : i32
      %dma_start3A_127 = tpu.memref_slice %arg6[%arg0, %mul3A_124, %dma_start3A_126] : memref<2x10112x128xf32, #tpu.memory_space<hbm>> -> memref<1x632x128xf32, #tpu.memory_space<hbm>>
      %dma_start3A_128 = tpu.memref_squeeze %dma_start3A_127 : memref<1x632x128xf32, #tpu.memory_space<hbm>> -> memref<632x128xf32, #tpu.memory_space<hbm>>
      %dma_start3A_129 = arith.constant 0 : i32
      %dma_start3A_130 = tpu.memref_slice %arg11[%mul3A_122, %dma_start3A_129] : memref<10112x128xf32, #tpu.memory_space<vmem_shared>> -> memref<632x128xf32, #tpu.memory_space<vmem_shared>>
      tpu.enqueue_dma source(%dma_start3A_130 : memref<632x128xf32, #tpu.memory_space<vmem_shared>>) target(%dma_start3A_128 : memref<632x128xf32, #tpu.memory_space<hbm>>) target_semaphore(%run_scoped3A_125 : memref<!tpu.dma_semaphore, #tpu.memory_space<semaphore_mem>>)
      %dma_wait3A_131 = arith.constant 0 : i32
      %dma_wait3A_132 = tpu.memref_slice %arg6[%arg0, %mul3A_124, %dma_wait3A_131] : memref<2x10112x128xf32, #tpu.memory_space<hbm>> -> memref<1x632x128xf32, #tpu.memory_space<hbm>>
      %dma_wait3A_133 = tpu.memref_squeeze %dma_wait3A_132 : memref<1x632x128xf32, #tpu.memory_space<hbm>> -> memref<632x128xf32, #tpu.memory_space<hbm>>
      %dma_wait3A_134 = arith.constant 0 : i32
      %dma_wait3A_135 = tpu.memref_slice %arg11[%mul3A_122, %dma_wait3A_134] : memref<10112x128xf32, #tpu.memory_space<vmem_shared>> -> memref<632x128xf32, #tpu.memory_space<vmem_shared>>
      tpu.wait_dma2 semaphore(%run_scoped3A_125 : memref<!tpu.dma_semaphore, #tpu.memory_space<semaphore_mem>>) src(%dma_wait3A_135 : memref<632x128xf32, #tpu.memory_space<vmem_shared>>) dst(%dma_wait3A_133 : memref<632x128xf32, #tpu.memory_space<hbm>>)
      tpu.yield
    }) : () -> ()
    return
  }
}

module attributes {stable_mosaic.version = 14 : i64} {
  func.func @_tc_layer1_body(%arg0: i32, %arg1: memref<2x400x128xf32, #tpu.memory_space<vmem>>, %arg2: memref<400x128xf32, #tpu.memory_space<vmem>>, %arg3: memref<128x128xf32, #tpu.memory_space<vmem>>, %arg4: memref<128x128xf32, #tpu.memory_space<vmem>>, %arg5: memref<1x128xf32, #tpu.memory_space<vmem>>, %arg6: memref<128x128xf32, #tpu.memory_space<vmem>>, %arg7: memref<400x128xbf16, #tpu.memory_space<vmem>>) attributes {dimension_semantics = [#tpu.dimension_semantics<arbitrary>], iteration_bounds = array<i64: 25>, scalar_prefetch = 0 : i64, scratch_operands = 0 : i64, tpu.core_type = #tpu.core_type<tc>, window_params = [{transform_indices = @transform_0, window_bounds = array<i64: 2, 400, 128>}, {transform_indices = @transform_1, window_bounds = array<i64: 400, 128>}, {pipeline_mode = #tpu.pipeline_mode<synchronous>, transform_indices = @transform_2, window_bounds = array<i64: 128, 128>}, {pipeline_mode = #tpu.pipeline_mode<synchronous>, transform_indices = @transform_3, window_bounds = array<i64: 128, 128>}, {pipeline_mode = #tpu.pipeline_mode<synchronous>, transform_indices = @transform_4, window_bounds = array<i64: 1, 128>}, {pipeline_mode = #tpu.pipeline_mode<synchronous>, transform_indices = @transform_5, window_bounds = array<i64: 128, 128>}, {transform_indices = @transform_6, window_bounds = array<i64: 400, 128>}]} {
    %get3A = arith.constant 0 : index
    %get3A_0 = arith.constant 0 : index
    %get3A_1 = arith.constant 0 : index
    %get3A_2 = vector.load %arg1[%get3A, %get3A_0, %get3A_1] : memref<2x400x128xf32, #tpu.memory_space<vmem>>, vector<1x400x128xf32>
    %get3A_3 = vector.shape_cast %get3A_2 : vector<1x400x128xf32> to vector<400x128xf32>
    %get3A_4 = arith.constant 1 : index
    %get3A_5 = arith.constant 0 : index
    %get3A_6 = arith.constant 0 : index
    %get3A_7 = vector.load %arg1[%get3A_4, %get3A_5, %get3A_6] : memref<2x400x128xf32, #tpu.memory_space<vmem>>, vector<1x400x128xf32>
    %get3A_8 = vector.shape_cast %get3A_7 : vector<1x400x128xf32> to vector<400x128xf32>
    %add3A = arith.addf %get3A_3, %get3A_8 : vector<400x128xf32>
    %get3A_9 = arith.constant 0 : index
    %get3A_10 = arith.constant 0 : index
    %get3A_11 = vector.load %arg3[%get3A_9, %get3A_10] : memref<128x128xf32, #tpu.memory_space<vmem>>, vector<128x128xf32>
    %dot_general3A = arith.constant dense<0.000000e+00> : vector<400x128xf32>
    %dot_general3A_12 = tpu.matmul %add3A, %get3A_11, %dot_general3A {dimension_numbers = #tpu.dot_dimension_numbers<[1], [0], [0], [1], [0, 0, 1, 1], [], []>, transpose_lhs_hint = false} : vector<400x128xf32>, vector<128x128xf32>, vector<400x128xf32> -> vector<400x128xf32>
    %get3A_13 = arith.constant 0 : index
    %get3A_14 = arith.constant 0 : index
    %get3A_15 = vector.load %arg2[%get3A_13, %get3A_14] : memref<400x128xf32, #tpu.memory_space<vmem>>, vector<400x128xf32>
    %get3A_16 = arith.constant 0 : index
    %get3A_17 = arith.constant 0 : index
    %get3A_18 = vector.load %arg4[%get3A_16, %get3A_17] : memref<128x128xf32, #tpu.memory_space<vmem>>, vector<128x128xf32>
    %dot_general3A_19 = arith.constant dense<0.000000e+00> : vector<400x128xf32>
    %dot_general3A_20 = tpu.matmul %get3A_15, %get3A_18, %dot_general3A_19 {dimension_numbers = #tpu.dot_dimension_numbers<[1], [0], [0], [1], [0, 0, 1, 1], [], []>, transpose_lhs_hint = false} : vector<400x128xf32>, vector<128x128xf32>, vector<400x128xf32> -> vector<400x128xf32>
    %add3A_21 = arith.addf %dot_general3A_12, %dot_general3A_20 : vector<400x128xf32>
    %get3A_22 = arith.constant 0 : index
    %get3A_23 = arith.constant 0 : index
    %get3A_24 = vector.load %arg5[%get3A_22, %get3A_23] : memref<1x128xf32, #tpu.memory_space<vmem>>, vector<1x128xf32>
    %add3A_25 = vector.broadcast %get3A_24 : vector<1x128xf32> to vector<400x128xf32>
    %add3A_26 = arith.addf %add3A_21, %add3A_25 : vector<400x128xf32>
    %max3A = arith.constant 0.000000e+00 : f32
    %max3A_27 = vector.broadcast %max3A : f32 to vector<400x128xf32>
    %max3A_28 = arith.maximumf %add3A_26, %max3A_27 : vector<400x128xf32>
    %get3A_29 = arith.constant 0 : index
    %get3A_30 = arith.constant 0 : index
    %get3A_31 = vector.load %arg6[%get3A_29, %get3A_30] : memref<128x128xf32, #tpu.memory_space<vmem>>, vector<128x128xf32>
    %dot_general3A_32 = arith.constant dense<0.000000e+00> : vector<400x128xf32>
    %dot_general3A_33 = tpu.matmul %max3A_28, %get3A_31, %dot_general3A_32 {dimension_numbers = #tpu.dot_dimension_numbers<[1], [0], [0], [1], [0, 0, 1, 1], [], []>, transpose_lhs_hint = false} : vector<400x128xf32>, vector<128x128xf32>, vector<400x128xf32> -> vector<400x128xf32>
    %convert_element_type3A = arith.truncf %dot_general3A_33 : vector<400x128xf32> to vector<400x128xbf16>
    %swap3A = arith.constant 0 : index
    %swap3A_34 = arith.constant 0 : index
    %swap3A_35 = vector.load %arg7[%swap3A, %swap3A_34] : memref<400x128xbf16, #tpu.memory_space<vmem>>, vector<400x128xbf16>
    tpu.vector_store %arg7[%swap3A, %swap3A_34], %convert_element_type3A {strides = array<i32>} : memref<400x128xbf16, #tpu.memory_space<vmem>>, vector<400x128xbf16>,
    return
  }
  func.func @transform_0(%arg0: i32) -> (i32, i32, i32) {
    %c0_i32 = arith.constant 0 : i32
    %c0_i32_0 = arith.constant 0 : i32
    %c0_i32_1 = arith.constant 0 : i32
    return %c0_i32, %arg0, %c0_i32_0 : i32, i32, i32
  }
  func.func @transform_1(%arg0: i32) -> (i32, i32) {
    %c0_i32 = arith.constant 0 : i32
    %c0_i32_0 = arith.constant 0 : i32
    return %arg0, %c0_i32 : i32, i32
  }
  func.func @transform_2(%arg0: i32) -> (i32, i32) {
    %c0_i32 = arith.constant 0 : i32
    %c0_i32_0 = arith.constant 0 : i32
    %c0_i32_1 = arith.constant 0 : i32
    return %c0_i32, %c0_i32_0 : i32, i32
  }
  func.func @transform_3(%arg0: i32) -> (i32, i32) {
    %c0_i32 = arith.constant 0 : i32
    %c0_i32_0 = arith.constant 0 : i32
    %c0_i32_1 = arith.constant 0 : i32
    return %c0_i32, %c0_i32_0 : i32, i32
  }
  func.func @transform_4(%arg0: i32) -> (i32, i32) {
    %c0_i32 = arith.constant 0 : i32
    %c0_i32_0 = arith.constant 0 : i32
    %c0_i32_1 = arith.constant 0 : i32
    return %c0_i32, %c0_i32_0 : i32, i32
  }
  func.func @transform_5(%arg0: i32) -> (i32, i32) {
    %c0_i32 = arith.constant 0 : i32
    %c0_i32_0 = arith.constant 0 : i32
    %c0_i32_1 = arith.constant 0 : i32
    return %c0_i32, %c0_i32_0 : i32, i32
  }
  func.func @transform_6(%arg0: i32) -> (i32, i32) {
    %c0_i32 = arith.constant 0 : i32
    %c0_i32_0 = arith.constant 0 : i32
    return %arg0, %c0_i32 : i32, i32
  }
}

module attributes {stable_mosaic.version = 14 : i64} {
  func.func @_tc_layer2_body(%arg0: i32, %arg1: memref<2x400x128xf32, #tpu.memory_space<vmem>>, %arg2: memref<400x128xbf16, #tpu.memory_space<vmem>>, %arg3: memref<128x128xf32, #tpu.memory_space<vmem>>, %arg4: memref<128x128xbf16, #tpu.memory_space<vmem>>, %arg5: memref<1x128xf32, #tpu.memory_space<vmem>>, %arg6: memref<1x1x400xi32, #tpu.memory_space<vmem>>, %arg7: memref<256x128xf32, #tpu.memory_space<vmem>>, %arg8: memref<256x128xf32, #tpu.memory_space<vmem>>, %arg9: memref<1x256xf32, #tpu.memory_space<vmem>>) attributes {dimension_semantics = [#tpu.dimension_semantics<arbitrary>], iteration_bounds = array<i64: 25>, scalar_prefetch = 0 : i64, scratch_operands = 2 : i64, tpu.core_type = #tpu.core_type<tc>, window_params = [{transform_indices = @transform_0, window_bounds = array<i64: 2, 400, 128>}, {transform_indices = @transform_1, window_bounds = array<i64: 400, 128>}, {pipeline_mode = #tpu.pipeline_mode<synchronous>, transform_indices = @transform_2, window_bounds = array<i64: 128, 128>}, {pipeline_mode = #tpu.pipeline_mode<synchronous>, transform_indices = @transform_3, window_bounds = array<i64: 128, 128>}, {pipeline_mode = #tpu.pipeline_mode<synchronous>, transform_indices = @transform_4, window_bounds = array<i64: 1, 128>}, {transform_indices = @transform_5, window_bounds = array<i64: 1, 1, 400>}, {pipeline_mode = #tpu.pipeline_mode<synchronous>, transform_indices = @transform_6, window_bounds = array<i64: 256, 128>}]} {
    %get3A = arith.constant 0 : index
    %get3A_0 = arith.constant 0 : index
    %get3A_1 = arith.constant 0 : index
    %get3A_2 = vector.load %arg1[%get3A, %get3A_0, %get3A_1] : memref<2x400x128xf32, #tpu.memory_space<vmem>>, vector<1x400x128xf32>
    %get3A_3 = vector.shape_cast %get3A_2 : vector<1x400x128xf32> to vector<400x128xf32>
    %get3A_4 = arith.constant 1 : index
    %get3A_5 = arith.constant 0 : index
    %get3A_6 = arith.constant 0 : index
    %get3A_7 = vector.load %arg1[%get3A_4, %get3A_5, %get3A_6] : memref<2x400x128xf32, #tpu.memory_space<vmem>>, vector<1x400x128xf32>
    %get3A_8 = vector.shape_cast %get3A_7 : vector<1x400x128xf32> to vector<400x128xf32>
    %add3A = arith.addf %get3A_3, %get3A_8 : vector<400x128xf32>
    %get3A_9 = arith.constant 0 : index
    %get3A_10 = arith.constant 0 : index
    %get3A_11 = vector.load %arg3[%get3A_9, %get3A_10] : memref<128x128xf32, #tpu.memory_space<vmem>>, vector<128x128xf32>
    %dot_general3A = arith.constant dense<0.000000e+00> : vector<400x128xf32>
    %dot_general3A_12 = tpu.matmul %add3A, %get3A_11, %dot_general3A {dimension_numbers = #tpu.dot_dimension_numbers<[1], [0], [0], [1], [0, 0, 1, 1], [], []>, transpose_lhs_hint = false} : vector<400x128xf32>, vector<128x128xf32>, vector<400x128xf32> -> vector<400x128xf32>
    %get3A_13 = arith.constant 0 : index
    %get3A_14 = arith.constant 0 : index
    %get3A_15 = vector.load %arg2[%get3A_13, %get3A_14] : memref<400x128xbf16, #tpu.memory_space<vmem>>, vector<400x128xbf16>
    %get3A_16 = arith.constant 0 : index
    %get3A_17 = arith.constant 0 : index
    %get3A_18 = vector.load %arg4[%get3A_16, %get3A_17] : memref<128x128xbf16, #tpu.memory_space<vmem>>, vector<128x128xbf16>
    %dot_general3A_19 = arith.constant dense<0.000000e+00> : vector<400x128xf32>
    %dot_general3A_20 = tpu.matmul %get3A_15, %get3A_18, %dot_general3A_19 {dimension_numbers = #tpu.dot_dimension_numbers<[1], [0], [0], [1], [0, 0, 1, 1], [], []>, transpose_lhs_hint = false} : vector<400x128xbf16>, vector<128x128xbf16>, vector<400x128xf32> -> vector<400x128xf32>
    %add3A_21 = arith.addf %dot_general3A_12, %dot_general3A_20 : vector<400x128xf32>
    %get3A_22 = arith.constant 0 : index
    %get3A_23 = arith.constant 0 : index
    %get3A_24 = vector.load %arg5[%get3A_22, %get3A_23] : memref<1x128xf32, #tpu.memory_space<vmem>>, vector<1x128xf32>
    %add3A_25 = vector.broadcast %get3A_24 : vector<1x128xf32> to vector<400x128xf32>
    %add3A_26 = arith.addf %add3A_21, %add3A_25 : vector<400x128xf32>
    %max3A = arith.constant 0.000000e+00 : f32
    %max3A_27 = vector.broadcast %max3A : f32 to vector<400x128xf32>
    %max3A_28 = arith.maximumf %add3A_26, %max3A_27 : vector<400x128xf32>
    %get3A_29 = arith.constant 0 : index
    %get3A_30 = arith.constant 0 : index
    %get3A_31 = arith.constant 0 : index
    %get3A_32 = vector.load %arg6[%get3A_29, %get3A_30, %get3A_31] : memref<1x1x400xi32, #tpu.memory_space<vmem>>, vector<1x1x400xi32>
    %get3A_33 = vector.shape_cast %get3A_32 : vector<1x1x400xi32> to vector<400xi32>
    %iota3A = tpu.iota {dimensions = array<i32: 1>} : vector<400x256xi32>
    %broadcast_in_dim3A = vector.shape_cast %get3A_33 : vector<400xi32> to vector<400x1xi32>
    %eq3A = vector.broadcast %broadcast_in_dim3A : vector<400x1xi32> to vector<400x256xi32>
    %eq3A_34 = arith.cmpi eq, %eq3A, %iota3A : vector<400x256xi32>
    %jit3A = arith.constant 1.000000e+00 : f32
    %jit3A_35 = arith.constant 0.000000e+00 : f32
    %broadcast_in_dim3A_36 = vector.broadcast %jit3A : f32 to vector<400x256xf32>
    %broadcast_in_dim3A_37 = vector.broadcast %jit3A_35 : f32 to vector<400x256xf32>
    %select_n3A = arith.select %eq3A_34, %broadcast_in_dim3A_36, %broadcast_in_dim3A_37 : vector<400x256xi1>, vector<400x256xf32>
    %dot_general3A_38 = arith.constant dense<0.000000e+00> : vector<256x128xf32>
    %dot_general3A_39 = tpu.matmul %select_n3A, %max3A_28, %dot_general3A_38 {dimension_numbers = #tpu.dot_dimension_numbers<[0], [0], [1], [1], [0, 1, 1, 1], [], []>, transpose_lhs_hint = false} : vector<400x256xf32>, vector<400x128xf32>, vector<256x128xf32> -> vector<256x128xf32>
    %reduce_sum3A = arith.constant dense<0.000000e+00> : vector<256xf32>
    %reduce_sum3A_40 = vector.multi_reduction <add>, %select_n3A, %reduce_sum3A [0] : vector<400x256xf32> to vector<256xf32>
    %broadcast_in_dim3A_41 = vector.shape_cast %reduce_sum3A_40 : vector<256xf32> to vector<1x256xf32>
    %eq3A_42 = arith.constant 0 : i32
    %eq3A_43 = arith.cmpi eq, %arg0, %eq3A_42 : i32
    %convert_element_type3A = arith.extui %eq3A_43 : i1 to i32
    %cond3A = arith.constant 0 : i32
    %cond3A_44 = arith.cmpi ne, %convert_element_type3A, %cond3A : i32
    scf.if %cond3A_44 {
      %swap3A = arith.constant 0 : index
      %swap3A_54 = arith.constant 0 : index
      %swap3A_55 = vector.load %arg8[%swap3A, %swap3A_54] : memref<256x128xf32, #tpu.memory_space<vmem>>, vector<256x128xf32>
      tpu.vector_store %arg8[%swap3A, %swap3A_54], %dot_general3A_39 {strides = array<i32>} : memref<256x128xf32, #tpu.memory_space<vmem>>, vector<256x128xf32>,
      %swap3A_56 = arith.constant 0 : index
      %swap3A_57 = arith.constant 0 : index
      %swap3A_58 = vector.load %arg9[%swap3A_56, %swap3A_57] : memref<1x256xf32, #tpu.memory_space<vmem>>, vector<1x256xf32>
      tpu.vector_store %arg9[%swap3A_56, %swap3A_57], %broadcast_in_dim3A_41 {strides = array<i32>} : memref<1x256xf32, #tpu.memory_space<vmem>>, vector<1x256xf32>,
    } else {
    }
    %gt3A = arith.constant 0 : i32
    %gt3A_45 = arith.cmpi sgt, %arg0, %gt3A : i32
    %convert_element_type3A_46 = arith.extui %gt3A_45 : i1 to i32
    %cond3A_47 = arith.constant 0 : i32
    %cond3A_48 = arith.cmpi ne, %convert_element_type3A_46, %cond3A_47 : i32
    scf.if %cond3A_48 {
      %get3A_54 = arith.constant 0 : index
      %get3A_55 = arith.constant 0 : index
      %get3A_56 = vector.load %arg8[%get3A_54, %get3A_55] : memref<256x128xf32, #tpu.memory_space<vmem>>, vector<256x128xf32>
      %add3A_57 = arith.addf %get3A_56, %dot_general3A_39 : vector<256x128xf32>
      %swap3A = arith.constant 0 : index
      %swap3A_58 = arith.constant 0 : index
      %swap3A_59 = vector.load %arg8[%swap3A, %swap3A_58] : memref<256x128xf32, #tpu.memory_space<vmem>>, vector<256x128xf32>
      tpu.vector_store %arg8[%swap3A, %swap3A_58], %add3A_57 {strides = array<i32>} : memref<256x128xf32, #tpu.memory_space<vmem>>, vector<256x128xf32>,
      %get3A_60 = arith.constant 0 : index
      %get3A_61 = arith.constant 0 : index
      %get3A_62 = vector.load %arg9[%get3A_60, %get3A_61] : memref<1x256xf32, #tpu.memory_space<vmem>>, vector<1x256xf32>
      %add3A_63 = arith.addf %get3A_62, %broadcast_in_dim3A_41 : vector<1x256xf32>
      %swap3A_64 = arith.constant 0 : index
      %swap3A_65 = arith.constant 0 : index
      %swap3A_66 = vector.load %arg9[%swap3A_64, %swap3A_65] : memref<1x256xf32, #tpu.memory_space<vmem>>, vector<1x256xf32>
      tpu.vector_store %arg9[%swap3A_64, %swap3A_65], %add3A_63 {strides = array<i32>} : memref<1x256xf32, #tpu.memory_space<vmem>>, vector<1x256xf32>,
    } else {
    }
    %eq3A_49 = arith.constant 24 : i32
    %eq3A_50 = arith.cmpi eq, %arg0, %eq3A_49 : i32
    %convert_element_type3A_51 = arith.extui %eq3A_50 : i1 to i32
    %cond3A_52 = arith.constant 0 : i32
    %cond3A_53 = arith.cmpi ne, %convert_element_type3A_51, %cond3A_52 : i32
    scf.if %cond3A_53 {
      %get3A_54 = arith.constant 0 : index
      %get3A_55 = arith.constant 0 : index
      %get3A_56 = vector.load %arg9[%get3A_54, %get3A_55] : memref<1x256xf32, #tpu.memory_space<vmem>>, vector<1x256xf32>
      %max3A_57 = arith.constant 1.000000e+00 : f32
      %max3A_58 = vector.broadcast %max3A_57 : f32 to vector<1x256xf32>
      %max3A_59 = arith.maximumf %get3A_56, %max3A_58 : vector<1x256xf32>
      %get3A_60 = arith.constant 0 : index
      %get3A_61 = arith.constant 0 : index
      %get3A_62 = vector.load %arg8[%get3A_60, %get3A_61] : memref<256x128xf32, #tpu.memory_space<vmem>>, vector<256x128xf32>
      %squeeze3A = vector.shape_cast %max3A_59 : vector<1x256xf32> to vector<256xf32>
      %broadcast_in_dim3A_63 = vector.shape_cast %squeeze3A : vector<256xf32> to vector<256x1xf32>
      %div3A = vector.broadcast %broadcast_in_dim3A_63 : vector<256x1xf32> to vector<256x128xf32>
      %div3A_64 = arith.divf %get3A_62, %div3A : vector<256x128xf32>
      %swap3A = arith.constant 0 : index
      %swap3A_65 = arith.constant 0 : index
      %swap3A_66 = vector.load %arg7[%swap3A, %swap3A_65] : memref<256x128xf32, #tpu.memory_space<vmem>>, vector<256x128xf32>
      tpu.vector_store %arg7[%swap3A, %swap3A_65], %div3A_64 {strides = array<i32>} : memref<256x128xf32, #tpu.memory_space<vmem>>, vector<256x128xf32>,
    } else {
    }
    return
  }
  func.func @transform_0(%arg0: i32) -> (i32, i32, i32) {
    %c0_i32 = arith.constant 0 : i32
    %c0_i32_0 = arith.constant 0 : i32
    %c0_i32_1 = arith.constant 0 : i32
    return %c0_i32, %arg0, %c0_i32_0 : i32, i32, i32
  }
  func.func @transform_1(%arg0: i32) -> (i32, i32) {
    %c0_i32 = arith.constant 0 : i32
    %c0_i32_0 = arith.constant 0 : i32
    return %arg0, %c0_i32 : i32, i32
  }
  func.func @transform_2(%arg0: i32) -> (i32, i32) {
    %c0_i32 = arith.constant 0 : i32
    %c0_i32_0 = arith.constant 0 : i32
    %c0_i32_1 = arith.constant 0 : i32
    return %c0_i32, %c0_i32_0 : i32, i32
  }
  func.func @transform_3(%arg0: i32) -> (i32, i32) {
    %c0_i32 = arith.constant 0 : i32
    %c0_i32_0 = arith.constant 0 : i32
    %c0_i32_1 = arith.constant 0 : i32
    return %c0_i32, %c0_i32_0 : i32, i32
  }
  func.func @transform_4(%arg0: i32) -> (i32, i32) {
    %c0_i32 = arith.constant 0 : i32
    %c0_i32_0 = arith.constant 0 : i32
    %c0_i32_1 = arith.constant 0 : i32
    return %c0_i32, %c0_i32_0 : i32, i32
  }
  func.func @transform_5(%arg0: i32) -> (i32, i32, i32) {
    %c0_i32 = arith.constant 0 : i32
    %c0_i32_0 = arith.constant 0 : i32
    %c0_i32_1 = arith.constant 0 : i32
    return %arg0, %c0_i32, %c0_i32_0 : i32, i32, i32
  }
  func.func @transform_6(%arg0: i32) -> (i32, i32) {
    %c0_i32 = arith.constant 0 : i32
    %c0_i32_0 = arith.constant 0 : i32
    %c0_i32_1 = arith.constant 0 : i32
    return %c0_i32, %c0_i32_0 : i32, i32
  }
}

</mosaic_0001>

<sc_bundles>
// kernel: kernel.6.cloned.1.call-start
scs
__scs_entry_jumppad:
0x0: {  	(pc) =	sbr.rel $0x88, $3  }
0x1: {  	(tag) =	ssettag $0x0;
	lr =	simm.s32 $0x1  }
0x2: {  	[smem:$0x3F98] =	sst lr;
	_ =	strace $0xD0000000  }
0x3: {  	_ = 	snop  }
0x4: {  	_ = 	snop  }
0x5: {  	_ = 	snop  }
0x6: {  	_ = 	snop  }
0x7: {  	_ = 	snop  }
__scs_overlays_trampoline_lowered:
0x8: {  	[smem:$0x3FA7] =	sst s0  }
0x9: {  	[smem:$0x3FA8] =	sst s1  }
0xa: {  	[smem:$0x3FA9] =	sst s2  }
0xb: {  	[smem:$0x3FAA] =	sst s3  }
0xc: {  	[smem:$0x3FAB] =	sst s4  }
0xd: {  	[smem:$0x3FAC] =	sst s5  }
0xe: {  	[smem:$0x3FAD] =	sst s6  }
0xf: {  	[smem:$0x3FAE] =	sst s7  }
0x10: {  	[smem:$0x3FAF] =	sst s8  }
0x11: {  	[smem:$0x3FB0] =	sst s9;
	s0 =	simm.s32 @!p0 $0x0  }
0x12: {  	s1 =	sld [smem:$0x3F96];
	s0 =	simm.s32 @p0 $0x1  }
0x13: {  	[smem:$0x3FB1] =	sst s0;
	s0 =	simm.s32 @!p1 $0x0  }
0x14: {  	s2 =	sld [smem:$0x3F95];
	s0 =	simm.s32 @p1 $0x1  }
0x15: {  	[smem:$0x3FB2] =	sst s0;
	s0 =	simm.s32 @!p2 $0x0  }
0x16: {  	s3 =	sld [smem:$0x3FDB];
	s0 =	simm.s32 @p2 $0x1  }
0x17: {  	s4 =	simm.s32 $0x1BF5;
	[smem:$0x3FB4] =	sst s0  }
0x18: {  	s0 =	sld [smem:$0x3F97];
	_ =	swait.ge [sflag:s4], $0x0  }
0x19: {  	s7 =	sld [smem:$0x3F98]  }
0x1a: {  	s8 =	sadd.s32 $0xFFFFE003, lr  }
0x1b: {  	s9 =	sadd.s32 $0xFFFFFEF7, lr;
	s5 =	simm.s32 $0xFFFFFFFF;
	p2 =	slt.u32 s8, $0xFFFFF086  }
0x1c: {  	p1 =	slt.u32 s9, $0xF7A;
	s5 =	simm.s32 @!p2 $0x0  }
0x1d: {  	s5 =	simm.s32 @p1 $0x1;
	p0 =	seq.s32 s7, s2  }
0x1e: {  	s7 =	smul.u32 @!p0 $0xF7A, s2;
	p2 =	seq.s32 @!p0 s5, $0x0  }
0x1f: {  	s9 =	smul.u32 $0xF7A, s1;
	s8 =	simm.s32 @!p0 $0x1BF5;
	p2 =	por !p2, p0  }
0x20: {  	[sflag:s8] =	ssyncset.s32 @!p0 $0xFFFFF086;
	s6 =	sadd.s32 @!p0 s3, s7;
	s7 =	simm.s32 @!p0 $0x108  }
0x21: {  	s3 =	sadd.s32 s3, s9;
	s6 =	sadd.s32 @!p0 $0x88, s6;
	s7 =	simm.s32 @p2 $0x1082  }
0x22: {  	[simem:s7], [sflag:s8] =	dma.local @!p0 [hbm:s6], $0xF7A  }
0x23: {  	s9 =	sor.u32 $0xD0000000, s2;
	s6 =	simm.s32 $0x108;
	_ =	swait.ge @!p0 [sflag:s8], $0x0  }
0x24: {  	s3 =	sadd.s32 $0x88, s3;
	s6 =	simm.s32 @!p1 $0x1082;
	[sflag:s4] =	ssyncset.s32 $0xFFFFF086  }
0x25: {  	[simem:s6], [sflag:s4] =	dma.local [hbm:s3], $0xF7A  }
0x26: {  	[smem:$0x3F98] =	sst s1;
	(tag) =	ssettag s2;
	_ =	strace s9  }
0x27: {  	s1 =	sld [smem:$0x3FA8]  }
0x28: {  	s2 =	sld [smem:$0x3FA9]  }
0x29: {  	s4 =	sld [smem:$0x3FAB]  }
0x2a: {  	p0 =	seq.s32 s5, $0x0;
	s5 =	sld [smem:$0x3FAC]  }
0x2b: {  	s6 =	sld [smem:$0x3FAD]  }
0x2c: {  	s7 =	sld [smem:$0x3FAE]  }
0x2d: {  	s3 =	simm.s32 $0x108;
	s8 =	sld [smem:$0x3FAF]  }
0x2e: {  	s3 =	simm.s32 @!p0 $0x1082;
	s9 =	sld [smem:$0x3FB0]  }
0x2f: {  	lr =	sadd.s32 s0, s3;
	s0 =	sld [smem:$0x3FA7]  }
0x30: {  	s3 =	sld [smem:$0x3FAA]  }
0x31: {  	[smem:$0x3FB3] =	sst s10  }
0x32: {  	s10 =	sld [smem:$0x3FB1];
	_ =	sdelay $0x3  }
0x33: {  	p0 =	seq.s32 s10, $0x1;
	s10 =	sld [smem:$0x3FB3];
	_ =	sdelay $0x3  }
0x34: {  	[smem:$0x3FB3] =	sst s10  }
0x35: {  	s10 =	sld [smem:$0x3FB2];
	_ =	sdelay $0x3  }
0x36: {  	p1 =	seq.s32 s10, $0x1;
	s10 =	sld [smem:$0x3FB3];
	_ =	sdelay $0x3  }
0x37: {  	[smem:$0x3FB3] =	sst s10  }
0x38: {  	s10 =	sld [smem:$0x3FB4]  }
0x39: {  	_ = 	snop;
	(pc) =	sbr.ind lr, $3  }
0x3a: {  	_ = 	snop  }
0x3b: {  	_ = 	snop  }
0x3c: {  	p2 =	seq.s32 s10, $0x1;
	s10 =	sld [smem:$0x3FB3]  }
0x3d: {  	_ =	shalt  }
0x3e: {  	_ =	shalt  }
0x3f: {  	_ =	shalt  }
0x40: {  	_ =	shalt  }
0x41: {  	_ =	shalt  }
0x42: {  	_ =	shalt  }
0x43: {  	_ =	shalt  }
0x44: {  	_ =	shalt  }
0x45: {  	_ =	shalt  }
0x46: {  	_ =	shalt  }
0x47: {  	_ =	shalt  }
0x48: {  	_ =	shalt  }
0x49: {  	_ =	shalt  }
0x4a: {  	_ =	shalt  }
0x4b: {  	_ =	shalt  }
0x4c: {  	_ =	shalt  }
0x4d: {  	_ =	shalt  }
0x4e: {  	_ =	shalt  }
0x4f: {  	_ =	shalt  }
0x50: {  	_ =	shalt  }
0x51: {  	_ =	shalt  }
0x52: {  	_ =	shalt  }
0x53: {  	_ =	shalt  }
0x54: {  	_ =	shalt  }
0x55: {  	_ =	shalt  }
0x56: {  	_ =	shalt  }
0x57: {  	_ =	shalt  }
0x58: {  	_ =	shalt  }
0x59: {  	_ =	shalt  }
0x5a: {  	_ =	shalt  }
0x5b: {  	_ =	shalt  }
0x5c: {  	_ =	shalt  }
0x5d: {  	_ =	shalt  }
0x5e: {  	_ =	shalt  }
0x5f: {  	_ =	shalt  }
0x60: {  	_ =	shalt  }
0x61: {  	_ =	shalt  }
0x62: {  	_ =	shalt  }
0x63: {  	_ =	shalt  }
0x64: {  	_ =	shalt  }
0x65: {  	_ =	shalt  }
0x66: {  	_ =	shalt  }
0x67: {  	_ =	shalt  }
0x68: {  	_ =	shalt  }
0x69: {  	_ =	shalt  }
0x6a: {  	_ =	shalt  }
0x6b: {  	_ =	shalt  }
0x6c: {  	_ =	shalt  }
0x6d: {  	_ =	shalt  }
0x6e: {  	_ =	shalt  }
0x6f: {  	_ =	shalt  }
0x70: {  	_ =	shalt  }
0x71: {  	_ =	shalt  }
0x72: {  	_ =	shalt  }
0x73: {  	_ =	shalt  }
0x74: {  	_ =	shalt  }
0x75: {  	_ =	shalt  }
0x76: {  	_ =	shalt  }
0x77: {  	_ =	shalt  }
0x78: {  	_ =	shalt  }
0x79: {  	_ =	shalt  }
0x7a: {  	_ =	shalt  }
0x7b: {  	_ =	shalt  }
0x7c: {  	_ =	shalt  }
0x7d: {  	_ =	shalt  }
0x7e: {  	_ =	shalt  }
0x7f: {  	_ =	shalt  }
0x80: {  	_ =	shalt  }
0x81: {  	_ =	shalt  }
0x82: {  	_ =	shalt  }
0x83: {  	_ =	shalt  }
0x84: {  	_ =	shalt  }
0x85: {  	_ =	shalt  }
0x86: {  	_ =	shalt  }
0x87: {  	_ =	shalt  }
.Lfunc_end0:
.L_simem_size_0:
called_computation_lowered:
.L_overlay_start_0:
0x88: {  	s2 =	sld [smem:$0x3FD9]  }
0x89: {  	s3 =	sld [smem:$0x3FFE];
	_ =	sdelay $0x1  }
0x8a: {  	s1 =	srdreg.scid  }
0x8b: {  	s0 =	sand.u32 $0x1, s1  }
0x8c: {  	s16 =	sshll.u32 s0, $0xA;
	s2 =	sadd.s32 s3, s2  }
0x8d: {  	s2 =	sadd.s32 s2, s16  }
0x8e: {  	[smem:$0x3FBF] =	sst s2  }
0x8f: {  	_ = 	snop  }
0x90: {  	(tm) =	ssettm $0x1  }
0x91: {  	s17 =	sld [smem:$0x3FFB];
	_ =	sdelay $0x3  }
0x92: {  	_ =	strace s17  }
0x93: {  	s2 =	sld [smem:$0x3FFC];
	_ =	sdelay $0x3  }
0x94: {  	_ =	strace s2  }
0x95: {  	s2 =	sld [smem:$0x3FFD];
	_ =	sdelay $0x3  }
0x96: {  	_ =	strace s2  }
0x97: {  	_ =	strace $0x8FFFFFFF  }
0x98: {  	s18 =	sld [smem:$0x3FDB];
	_ =	sdelay $0x1  }
0x99: {  	s19 =	simm.s32 $_scs_section_size  }
0x9a: {  	s4 =	simm.s32 $_size__tile_overlayer_lowered;
	s5 =	simm.s32 $_tile_overlayer_lowered  }
0x9b: {  	s22 =	simm.s32 $0x1BFF;
	s21 =	sshll.u32 s5, $0x1;
	s2 =	sadd.s32 s19, s18  }
0x9c: {  	s6 =	simm.s32 $0x0;
	s20 =	sshll.u32 s4, $0x1;
	s4 =	sadd.s32 s21, s2  }
0x9d: {  	[timem:s6], [sflag:s22] =	dma.local [hbm:s4], s20  }
0x9e: {  	_ =	swait.ge [sflag:s22], s20  }
0x9f: {  	s3 =	ssub.s32 $0x0, s20;
	[sflag:s22] =	ssyncset.done $0x0  }
0xa0: {  	[sflag:s22] =	ssyncadd.s32 s3;
	_ =	sdelay $0x1  }
0xa1: {  	s23 =	simm.s32 $0x1B8B  }
0xa2: {  	_ =	swait.ge [sflag:s23], $0x1  }
0xa3: {  	[sflag:s23] =	ssyncset.done $0x0  }
0xa4: {  	s25 =	simm.s32 $0x1B8E;
	s24 =	sld [smem:$0x3FFE];
	[sflag:s23] =	ssyncadd.s32 $0xFFFFFFFF  }
0xa5: {  	s26 =	simm.s32 $execute0_lowered;
	[smem:$0x3FD2] =	sst s25  }
0xa6: {  	s4 =	sshll.u32 s26, $0x1;
	_ =	strace $0x80000046;
	[dreg:$0x1] =	wrdreg $0xFFFFFFFF  }
0xa7: {  	s28 =	simm.s32 $_size_execute0_lowered;
	s2 =	sadd.s32 s2, s4;
	[dreg:$0x0] =	wrdreg $0x0  }
0xa8: {  	s4 =	sshll.u32 s28, $0x1;
	[dreg:$0x2] =	wrdreg s2  }
0xa9: {  	[dreg:$0x3] =	wrdreg s4  }
0xaa: {  	[dreg:$0x4] =	wrdreg $0xC0  }
0xab: {  	_ =	task [dreg:s6], $0x5FFFF  }
0xac: {  	[dreg:$0x1] =	wrdreg $0xFFFFFFFF  }
0xad: {  	[dreg:$0x0] =	wrdreg $0x60  }
0xae: {  	[dreg:$0x2] =	wrdreg s24  }
0xaf: {  	[dreg:$0x3] =	wrdreg $0xC0000  }
0xb0: {  	[dreg:$0x4] =	wrdreg $0x9  }
0xb1: {  	_ =	task.clear_ibuf [dreg:s6], $0x5FFFF;
	_ =	strace $0x90000046  }
0xb2: {  	s29 =	simm.s32 $0x9;
	_ =	strace $0x80000048  }
0xb3: {  	_ =	swait.ge [sflag:s29], $0x1  }
0xb4: {  	[sflag:s29] =	ssyncadd.s32 $0xFFFFFFFF  }
0xb5: {  	_ =	strace $0x90000048  }
0xb6: {  	_ =	sfence  }
0xb7: {  	s30 =	sld [smem:$0x0];
	_ =	sdelay $0x2  }
0xb8: {  	s31 =	sshll.u32 s1, $0xD;
	s1 =	sshrl.u32 s1, $0x2  }
0xb9: {  	s3 =	sand.u32 $0x4000, s31;
	s1 =	sadd.s32 s1, s30  }
0xba: {  	s0 =	sor.u32 s3, s0;
	s1 =	sshll.u32 s1, $0x11  }
0xbb: {  	s0 =	sor.u32 s1, s0  }
0xbc: {  	s0 =	sadd.s32 $0x8F2B, s0  }
0xbd: {  	[sflag:s0] =	ssyncadd.remote.s32 $0x1  }
0xbe: {  	_ =	sfence.sel $0xFFFF  }
0xbf: {  	[dreg:$0x0] =	wrdreg $0xFFFFFFFF;
	(pc) =	sbr.abs _section_cstart, $3  }
0xc0: {  	[dreg:$0x1] =	wrdreg $0xFFFFFFFF  }
0xc1: {  	_ =	task.clear_ibuf [dreg:s6], $0x2FFFF;
	_ =	strace $0x9FFFFFFF  }
0xc2: {  	(tm) =	ssettm $0x7FFFFFFF  }
0xc3: {  	_ =	shalt  }
tec
execute0_lowered:
.L_overlay_start_1:
0x0: {  	(tag) =	ssettag $0x1  }
0x1: {  	s0 =	rddreg [dreg:$0x0]  }
0x2: {  	s2 =	rddreg [dreg:$0x1]  }
0x3: {  	s1 =	srdreg.scid;
	s11 =	stileid.u32  }
0x4: {  	s3 =	simm.s32 $0x0;
	s16 =	simm.s32 $0x5;
	s18 =	simm.s32 $0x40  }
0x5: {  	s22 =	simm.s32 $0xC0;
	s23 =	simm.s32 $0x4000;
	s24 =	simm.s32 $0x1  }
0x6: {  	s25 =	simm.s32 $0x2;
	s26 =	simm.s32 $0x3;
	s28 =	simm.s32 $0x0  }
0x7: {  	s1 =	sand.u32 $0x1, s1;
	s9 =	smul.u32 $0x13C00, s11;
	[smem:$0x7FF] =	sst s3  }
0x8: {  	s4 =	sadd.s32 $0xC00, s0;
	s5 =	sadd.s32 $0x1E600, s0;
	s6 =	sadd.s32 $0x14600, s0  }
0x9: {  	s7 =	smul.u32 $0x13C000, s1;
	s10 =	sshll.u32 s1, $0x4;
	s1 =	ssub.s32 $0x2, s1  }
0xa: {  	_ =	strace $0x80000047;
	s12 =	sor.u32 s11, s10;
	s30 =	sshrl.u32 s1, $0x1  }
0xb: {  	s15 =	sadd.s32 s9, s2;
	s8 =	sadd.s32 s9, s7;
	s31 =	smul.u32 $0x500, s12  }
0xc: {  	s7 =	sadd.s32 $0x28600, s0;
	s1 =	ssub.s32 s1, s30;
	s12 =	smul.u32 $0x2800, s12  }
0xd: {  	s15 =	sshrl.u32 s15, $0x3;
	s8 =	sshrl.u32 s8, $0x3;
	s14 =	smax.u32 s1, $0x1  }
0xe: {  	s0 =	sadd.s32 s8, s0;
	s8 =	sshll.u32 s11, $0x6;
	s10 =	sadd.s32 s5, s31  }
0xf: {  	s11 =	sadd.s32 s6, s31;
	s9 =	sor.u32 $0x1C01, s8;
	s13 =	sadd.s32 $0x2AE00, s0  }
.LBB2_1:
0x10: {  	[spmem:s15], [sflag:s9] =	dma.local [hbm:s7], $0x2780  }
0x11: {  	[tilespmem:s3], [sflag:$0x5] =	stream.linear.gather [hbm4b:s10+s3], $0x400, $0x38;
	[tilespmem:$0x1FC00] =	vst v63  }
0x12: {  	_ =	swait.ge [sflag:s16], $0x400  }
0x13: {  	[sflag:s16] =	ssyncset.done $0x0  }
0x14: {  	s0 =	simm.s32 $0x800;
	[sflag:s16] =	ssyncadd.s32 $0xFFFFFC00  }
0x15: {  	[tilespmem:s0], [sflag:$0x5] =	stream.linear.gather [hbm4b:s11+s3], $0x400, $0x38;
	[tilespmem:$0x1FC00] =	vst v63  }
0x16: {  	_ =	swait.ge [sflag:s16], $0x400  }
0x17: {  	[sflag:s16] =	ssyncset.done $0x0  }
0x18: {  	s29 =	simm.s32 $0x1000;
	[sflag:s16] =	ssyncadd.s32 $0xFFFFFC00  }
0x19: {  	[tilespmem:s29], [sflag:$0x2] =	stream.indirect.gather [hbm4b:s4+s18], $0x40, s3, s18, $0xb8;
	[tilespmem:$0x1FC00] =	vst v63  }
0x1a: {  	s20 =	simm.s32 $0x2000  }
0x1b: {  	[tilespmem:s20], [sflag:$0x2] =	stream.indirect.gather [hbm4b:s4+s18], $0x40, s18, s18, $0xb8;
	[tilespmem:$0x1FC00] =	vst v63  }
0x1c: {  	s21 =	simm.s32 $0x80;
	s1 =	simm.s32 $0x3000  }
0x1d: {  	[tilespmem:s1], [sflag:$0x2] =	stream.indirect.gather [hbm4b:s4+s18], $0x40, s21, s18, $0xb8;
	[tilespmem:$0x1FC00] =	vst v63  }
0x1e: {  	_ = 	snop  }
0x1f: {  	[tilespmem:s23], [sflag:$0x2] =	stream.indirect.gather [hbm4b:s4+s18], $0x40, s22, s18, $0xb8;
	[tilespmem:$0x1FC00] =	vst v63  }
0x20: {  	_ =	swait.ge [sflag:s24], $0x2780  }
0x21: {  	[sflag:s24] =	ssyncset.done $0x0  }
0x22: {  	[sflag:s24] =	ssyncadd.s32 $0xFFFFD880  }
0x23: {  	s30 =	simm.s32 $0x6000;
	s31 =	simm.s32 $0x0;
	[bflag:$0x0] =	sbarrier.arrive $0xFFFF  }
.LBB2_2:
0x24: {  	s0 =	sand.u32 $0xF, s31;
	p0 =	sgt.u32 s31, $0x8F  }
0x25: {  	p1 =	sne.s32 @!p0 s0, $0x0  }
0x26: {  	p1 =	por p0, p1  }
.Ltmp0:
0x27: {  	_ = 	snop;
	(pc) =	sbr.rel @p1 .LBB2_4-.Ltmp0, $3  }
0x28: {  	_ =	sdelay $0x1  }
0x29: {  	s1 =	sshrl.u32 s31, $0x4  }
0x2a: {  	s1 =	sshll.u32 s1, $0xA  }
0x2b: {  	s17 =	sadd.s32 $0x400, s1  }
0x2c: {  	s19 =	sadd.s32 s12, s17  }
.Ltmp1:
0x2d: {  	s19 =	sshrl.u32 s19, $0x3;
	(pc) =	sbr.rel .LBB2_5-.Ltmp1, $4  }
0x2e: {  	s17 =	sand.u32 $0x400, s17;
	s20 =	sadd.s32 s5, s19  }
0x2f: {  	[tilespmem:s17], [sflag:$0x4] =	stream.linear.gather [hbm4b:s20+s3], $0x400, $0x38;
	[tilespmem:$0x1FC00] =	vst v63  }
0x30: {  	s19 =	sadd.s32 s6, s19;
	s17 =	sor.u32 $0x800, s17  }
0x31: {  	[tilespmem:s17], [sflag:$0x4] =	stream.linear.gather [hbm4b:s19+s3], $0x400, $0x38;
	[tilespmem:$0x1FC00] =	vst v63  }
.LBB2_4:
0x32: {  	p1 =	sne.s32 @!p0 s0, $0xB  }
0x33: {  	p0 =	por p1, p0  }
0x34: {  	s17 =	simm.s32 @!p0 $0x4  }
0x35: {  	_ =	swait.ge @!p0 [sflag:s17], $0x400  }
0x36: {  	[sflag:s17] =	ssyncset.done @!p0 $0x0  }
0x37: {  	[sflag:s17] =	ssyncadd.s32 @!p0 $0xFFFFFC00  }
0x38: {  	_ =	swait.ge @!p0 [sflag:s17], $0x400  }
0x39: {  	[sflag:s17] =	ssyncset.done @!p0 $0x0  }
0x3a: {  	[sflag:s17] =	ssyncadd.s32 @!p0 $0xFFFFFC00  }
.LBB2_5:
0x3b: {  	s19 =	smulhi.u32 $0xCCCCCCCD, s31  }
0x3c: {  	s17 =	smulhi.u32 $0xAAAAAAAB, s31;
	_ =	swait.ge [sflag:s25], $0x1000;
	p0 =	slt.u32 s31, $0x3  }
0x3d: {  	[sflag:s25] =	ssyncset.done $0x0;
	s20 =	simm.s32 @!p0 $0x3;
	s19 =	sshrl.u32 s19, $0x2  }
0x3e: {  	s17 =	sshrl.u32 s17, $0x1;
	[sflag:s25] =	ssyncadd.s32 $0xFFFFF000;
	s19 =	smul.u32 $0xFFFEC000, s19  }
0x3f: {  	s17 =	smul.u32 $0xFFFE8000, s17;
	_ =	swait.ge @!p0 [sflag:s20], $0x2000  }
0x40: {  	[sflag:s20] =	ssyncset.done @!p0 $0x0;
	s19 =	sshra.s32 s19, $0x2  }
0x41: {  	s21 =	sshra.s32 s17, $0x2;
	[sflag:s20] =	ssyncadd.s32 @!p0 $0xFFFFE000;
	s17 =	sadd.s32 s19, s29  }
0x42: {  	s20 =	sadd.s32 s21, s30;
	v1 =	vld [tilespmem:s17+$0x0]  }
0x43: {  	v0 =	vmov s20;
	_ =	sdelay $0x3  }
0x44: {  	s19 =	simm.s32 $0x0;
	v2 =	vshll.u32 v1, $0x10  }
0x45: {  	v1 =	vand.u32 $0xFFFF0000, v1;
	[tilespmem:v0+s19+$0x0 ss:$0x1] =	vst.idx.msk $0xffff, v2  }
0x46: {  	[tilespmem:v0+s19+$0x10 ss:$0x1] =	vst.idx.msk $0xffff, v1  }
0x47: {  	v1 =	vld [tilespmem:s17+$0x10];
	_ =	sdelay $0x4  }
0x48: {  	v2 =	vshll.u32 v1, $0x10  }
0x49: {  	v1 =	vand.u32 $0xFFFF0000, v1;
	[tilespmem:v0+s19+$0x20 ss:$0x1] =	vst.idx.msk $0xffff, v2  }
0x4a: {  	[tilespmem:v0+s19+$0x30 ss:$0x1] =	vst.idx.msk $0xffff, v1  }
0x4b: {  	v1 =	vld [tilespmem:s17+$0x20];
	_ =	sdelay $0x4  }
0x4c: {  	s21 =	smul.u32 $0xAB, s31;
	v2 =	vshll.u32 v1, $0x10  }
0x4d: {  	v1 =	vand.u32 $0xFFFF0000, v1;
	[tilespmem:v0+s19+$0x40 ss:$0x1] =	vst.idx.msk $0xffff, v2  }
0x4e: {  	s20 =	sshrl.u32 s21, $0x9;
	[tilespmem:v0+s19+$0x50 ss:$0x1] =	vst.idx.msk $0xffff, v1  }
0x4f: {  	s20 =	sand.u32 $0x7F, s20;
	v1 =	vld [tilespmem:s17+$0x30]  }
0x50: {  	s20 =	smul.u32 $0x3, s20;
	_ =	sdelay $0x1  }
0x51: {  	s20 =	ssub.s32 s31, s20  }
0x52: {  	s20 =	sand.u32 $0xFF, s20  }
0x53: {  	s20 =	sshll.u32 s20, $0xD;
	v2 =	vshll.u32 v1, $0x10  }
0x54: {  	s21 =	simm.s32 $0x200;
	s20 =	sadd.s32 $0x6000, s20;
	v1 =	vand.u32 $0xFFFF0000, v1;
	[tilespmem:v0+s19+$0x60 ss:$0x1] =	vst.idx.msk $0xffff, v2  }
.LBB2_6:
0x55: {  	p0 =	sne.s32 s21, $0x7E00  }
0x56: {  	[tilespmem:v0+s19+$0x70 ss:$0x1] =	vst.idx.msk $0xffff, v1;
	s17 =	sadd.s32 $0x40, s17;
	s19 =	smov.u32 s21;
	s21 =	sadd.s32 $0x200, s21  }
0x57: {  	v1 =	vld [tilespmem:s17+$0x0];
	_ =	sdelay $0x4  }
0x58: {  	s19 =	sshra.s32 s19, $0x2;
	v2 =	vshll.u32 v1, $0x10  }
0x59: {  	v1 =	vand.u32 $0xFFFF0000, v1;
	[tilespmem:v0+s19+$0x0 ss:$0x1] =	vst.idx.msk $0xffff, v2  }
0x5a: {  	[tilespmem:v0+s19+$0x10 ss:$0x1] =	vst.idx.msk $0xffff, v1  }
0x5b: {  	v1 =	vld [tilespmem:s17+$0x10];
	_ =	sdelay $0x4  }
0x5c: {  	v2 =	vshll.u32 v1, $0x10  }
0x5d: {  	v1 =	vand.u32 $0xFFFF0000, v1;
	[tilespmem:v0+s19+$0x20 ss:$0x1] =	vst.idx.msk $0xffff, v2  }
0x5e: {  	[tilespmem:v0+s19+$0x30 ss:$0x1] =	vst.idx.msk $0xffff, v1  }
0x5f: {  	v1 =	vld [tilespmem:s17+$0x20];
	_ =	sdelay $0x4  }
0x60: {  	v2 =	vshll.u32 v1, $0x10  }
0x61: {  	v1 =	vand.u32 $0xFFFF0000, v1;
	[tilespmem:v0+s19+$0x40 ss:$0x1] =	vst.idx.msk $0xffff, v2  }
0x62: {  	[tilespmem:v0+s19+$0x50 ss:$0x1] =	vst.idx.msk $0xffff, v1  }
0x63: {  	v1 =	vld [tilespmem:s17+$0x30];
	_ =	sdelay $0x1  }
.Ltmp2:
0x64: {  	(pc) =	sbr.rel @p0 .LBB2_6-.Ltmp2, $3  }
0x65: {  	_ =	sdelay $0x1  }
0x66: {  	v2 =	vshll.u32 v1, $0x10  }
0x67: {  	v1 =	vand.u32 $0xFFFF0000, v1;
	[tilespmem:v0+s19+$0x60 ss:$0x1] =	vst.idx.msk $0xffff, v2  }
0x68: {  	p0 =	sgt.u32 s31, $0x9B  }
0x69: {  	s17 =	sadd.s32 @!p0 $0x4, s31  }
0x6a: {  	s21 =	smul.u32 @!p0 $0xCD, s17;
	_ =	sdelay $0x1  }
0x6b: {  	s1 =	sand.u32 $0x400, s1;
	s0 =	sshll.u32 s0, $0x6;
	s21 =	sshrl.u32 @!p0 s21, $0xA  }
0x6c: {  	s0 =	sor.u32 s0, s1;
	s1 =	sand.u32 @!p0 $0x3F, s21  }
0x6d: {  	[tilespmem:v0+s19+$0x70 ss:$0x1] =	vst.idx.msk $0xffff, v1;
	s0 =	sor.u32 $0x800, s0;
	s1 =	smul.u32 @!p0 $0x5, s1  }
0x6e: {  	[spmem:s2] =	stream.indirect.scatter.add.f32 [tilespmem:s20], [sflag:$0x3], $0x80, s0, s18, $0xb8;
	[tilespmem:$0x1FC00] =	vst v63  }
0x6f: {  	s0 =	ssub.s32 @!p0 s17, s1  }
0x70: {  	s0 =	sand.u32 @!p0 $0xFF, s0  }
0x71: {  	s31 =	sadd.s32 $0x1, s31;
	s1 =	sshll.u32 @!p0 s17, $0x6;
	s0 =	sshll.u32 @!p0 s0, $0xC  }
0x72: {  	s17 =	simm.s32 @!p0 $0x40;
	s1 =	sand.u32 @!p0 $0x7C0, s1;
	s0 =	sadd.s32 @!p0 $0x1000, s0  }
0x73: {  	[tilespmem:s0], [sflag:$0x2] =	stream.indirect.gather @!p0 [hbm4b:s4+s17], $0x40, s1, s17, $0xb8;
	[tilespmem:$0x1FC00] =	vst v63  }
0x74: {  	p0 =	sne.s32 s31, $0xA0  }
.Ltmp3:
0x75: {  	_ = 	snop;
	(pc) =	sbr.rel @p0 .LBB2_2-.Ltmp3, $2  }
0x76: {  	_ =	sdelay $0x2  }
0x77: {  	s30 =	sadd.s32 $0x2000, s30;
	s29 =	sadd.s32 $0x1000, s29  }
0x78: {  	_ =	swait.ge [sflag:s26], $0x2000  }
0x79: {  	[sflag:s26] =	ssyncset.done $0x0  }
0x7a: {  	[sflag:s26] =	ssyncadd.s32 $0xFFFFE000  }
0x7b: {  	_ =	swait.ge [sflag:s26], $0x2000  }
0x7c: {  	[sflag:s26] =	ssyncset.done $0x0  }
0x7d: {  	[sflag:s26] =	ssyncadd.s32 $0xFFFFE000  }
0x7e: {  	_ =	swait.ge [sflag:s26], $0x2000  }
0x7f: {  	s28 =	sadd.s32 $0x1, s28;
	[sflag:s26] =	ssyncset.done $0x0  }
0x80: {  	p0 =	sne.s32 s28, s14;
	[sflag:s26] =	ssyncadd.s32 $0xFFFFE000  }
.Ltmp4:
0x81: {  	s0 =	sor.u32 $0x1C05, s8;
	[bflag:$0x0] =	sbarrier.arrive $0xFFFF;
	(pc) =	sbr.rel @p0 .LBB2_1-.Ltmp4, $4  }
0x82: {  	[hbm:s13], [sflag:s0] =	dma.local [spmem:s15], $0x2780  }
0x83: {  	_ =	swait.ge [sflag:s16], $0x2780  }
0x84: {  	[sflag:s16] =	ssyncset.done $0x0  }
0x85: {  	[sflag:s16] =	ssyncadd.s32 $0xFFFFD880  }
0x86: {  	_ =	sfence.sel $0x180000  }
0x87: {  	[bflag:$0x0] =	sbarrier.arrive $0xFFFF  }
0x88: {  	_ =	strace $0x90000047  }
0x89: {  	s0 =	stileid.u32;
	[bflag:$0x2] =	sbarrier.arrive $0xFFFF  }
0x8a: {  	p0 =	sne.s32 s0, $0x0;
	s0 =	rddreg [dreg:$0x2]  }
0x8b: {  	s0 =	sadd.s32 @!p0 $0x100000, s0  }
0x8c: {  	[sflag:s0] =	ssyncadd.tile.s32 @!p0 $0x1;
	_ =	shalt  }
.Lfunc_end2:
_tile_overlayer_lowered:
.L_overlay_start_2:
0x8d: {  	(tag) =	ssettag $0x2  }
0x8e: {  	s0 =	rddreg [dreg:$0x0];
	s2 =	stileid.u32  }
0x8f: {  	s1 =	rddreg [dreg:$0x1];
	p0 =	sne.s32 s2, $0x0  }
0x90: {  	s3 =	rddreg [dreg:$0x2];
	[bflag:$0x3] =	sbarrier.arrive $0xFFFF;
	s2 =	simm.s32 @!p0 $0x1C05  }
0x91: {  	[timem:s3], [sflag:s2] =	dma.local @!p0 [hbm:s0], s1  }
0x92: {  	s0 =	simm.s32 @!p0 $0x5  }
0x93: {  	_ =	swait.ge @!p0 [sflag:s0], s1  }
0x94: {  	s1 =	ssub.s32 @!p0 $0x0, s1;
	[sflag:s0] =	ssyncset.done @!p0 $0x0  }
0x95: {  	[sflag:s0] =	ssyncadd.s32 @!p0 s1  }
0x96: {  	[bflag:$0x3] =	sbarrier.arrive $0xFFFF  }
0x97: {  	_ =	shalt  }

// kernel: kernel.9.cloned.1.call-start
scs
__scs_entry_jumppad:
0x0: {  	(pc) =	sbr.rel $0x88, $3  }
0x1: {  	(tag) =	ssettag $0x0;
	lr =	simm.s32 $0x1  }
0x2: {  	[smem:$0x3F98] =	sst lr;
	_ =	strace $0xD0000000  }
0x3: {  	_ = 	snop  }
0x4: {  	_ = 	snop  }
0x5: {  	_ = 	snop  }
0x6: {  	_ = 	snop  }
0x7: {  	_ = 	snop  }
__scs_overlays_trampoline_lowered:
0x8: {  	[smem:$0x3FA7] =	sst s0  }
0x9: {  	[smem:$0x3FA8] =	sst s1  }
0xa: {  	[smem:$0x3FA9] =	sst s2  }
0xb: {  	[smem:$0x3FAA] =	sst s3  }
0xc: {  	[smem:$0x3FAB] =	sst s4  }
0xd: {  	[smem:$0x3FAC] =	sst s5  }
0xe: {  	[smem:$0x3FAD] =	sst s6  }
0xf: {  	[smem:$0x3FAE] =	sst s7  }
0x10: {  	[smem:$0x3FAF] =	sst s8  }
0x11: {  	[smem:$0x3FB0] =	sst s9;
	s0 =	simm.s32 @!p0 $0x0  }
0x12: {  	s1 =	sld [smem:$0x3F96];
	s0 =	simm.s32 @p0 $0x1  }
0x13: {  	[smem:$0x3FB1] =	sst s0;
	s0 =	simm.s32 @!p1 $0x0  }
0x14: {  	s2 =	sld [smem:$0x3F95];
	s0 =	simm.s32 @p1 $0x1  }
0x15: {  	[smem:$0x3FB2] =	sst s0;
	s0 =	simm.s32 @!p2 $0x0  }
0x16: {  	s3 =	sld [smem:$0x3FDB];
	s0 =	simm.s32 @p2 $0x1  }
0x17: {  	s4 =	simm.s32 $0x1BF5;
	[smem:$0x3FB4] =	sst s0  }
0x18: {  	s0 =	sld [smem:$0x3F97];
	_ =	swait.ge [sflag:s4], $0x0  }
0x19: {  	s7 =	sld [smem:$0x3F98]  }
0x1a: {  	s8 =	sadd.s32 $0xFFFFE003, lr  }
0x1b: {  	s9 =	sadd.s32 $0xFFFFFEF7, lr;
	s5 =	simm.s32 $0xFFFFFFFF;
	p2 =	slt.u32 s8, $0xFFFFF086  }
0x1c: {  	p1 =	slt.u32 s9, $0xF7A;
	s5 =	simm.s32 @!p2 $0x0  }
0x1d: {  	s5 =	simm.s32 @p1 $0x1;
	p0 =	seq.s32 s7, s2  }
0x1e: {  	s7 =	smul.u32 @!p0 $0xF7A, s2;
	p2 =	seq.s32 @!p0 s5, $0x0  }
0x1f: {  	s9 =	smul.u32 $0xF7A, s1;
	s8 =	simm.s32 @!p0 $0x1BF5;
	p2 =	por !p2, p0  }
0x20: {  	[sflag:s8] =	ssyncset.s32 @!p0 $0xFFFFF086;
	s6 =	sadd.s32 @!p0 s3, s7;
	s7 =	simm.s32 @!p0 $0x108  }
0x21: {  	s3 =	sadd.s32 s3, s9;
	s6 =	sadd.s32 @!p0 $0x88, s6;
	s7 =	simm.s32 @p2 $0x1082  }
0x22: {  	[simem:s7], [sflag:s8] =	dma.local @!p0 [hbm:s6], $0xF7A  }
0x23: {  	s9 =	sor.u32 $0xD0000000, s2;
	s6 =	simm.s32 $0x108;
	_ =	swait.ge @!p0 [sflag:s8], $0x0  }
0x24: {  	s3 =	sadd.s32 $0x88, s3;
	s6 =	simm.s32 @!p1 $0x1082;
	[sflag:s4] =	ssyncset.s32 $0xFFFFF086  }
0x25: {  	[simem:s6], [sflag:s4] =	dma.local [hbm:s3], $0xF7A  }
0x26: {  	[smem:$0x3F98] =	sst s1;
	(tag) =	ssettag s2;
	_ =	strace s9  }
0x27: {  	s1 =	sld [smem:$0x3FA8]  }
0x28: {  	s2 =	sld [smem:$0x3FA9]  }
0x29: {  	s4 =	sld [smem:$0x3FAB]  }
0x2a: {  	p0 =	seq.s32 s5, $0x0;
	s5 =	sld [smem:$0x3FAC]  }
0x2b: {  	s6 =	sld [smem:$0x3FAD]  }
0x2c: {  	s7 =	sld [smem:$0x3FAE]  }
0x2d: {  	s3 =	simm.s32 $0x108;
	s8 =	sld [smem:$0x3FAF]  }
0x2e: {  	s3 =	simm.s32 @!p0 $0x1082;
	s9 =	sld [smem:$0x3FB0]  }
0x2f: {  	lr =	sadd.s32 s0, s3;
	s0 =	sld [smem:$0x3FA7]  }
0x30: {  	s3 =	sld [smem:$0x3FAA]  }
0x31: {  	[smem:$0x3FB3] =	sst s10  }
0x32: {  	s10 =	sld [smem:$0x3FB1];
	_ =	sdelay $0x3  }
0x33: {  	p0 =	seq.s32 s10, $0x1;
	s10 =	sld [smem:$0x3FB3];
	_ =	sdelay $0x3  }
0x34: {  	[smem:$0x3FB3] =	sst s10  }
0x35: {  	s10 =	sld [smem:$0x3FB2];
	_ =	sdelay $0x3  }
0x36: {  	p1 =	seq.s32 s10, $0x1;
	s10 =	sld [smem:$0x3FB3];
	_ =	sdelay $0x3  }
0x37: {  	[smem:$0x3FB3] =	sst s10  }
0x38: {  	s10 =	sld [smem:$0x3FB4]  }
0x39: {  	_ = 	snop;
	(pc) =	sbr.ind lr, $3  }
0x3a: {  	_ = 	snop  }
0x3b: {  	_ = 	snop  }
0x3c: {  	p2 =	seq.s32 s10, $0x1;
	s10 =	sld [smem:$0x3FB3]  }
0x3d: {  	_ =	shalt  }
0x3e: {  	_ =	shalt  }
0x3f: {  	_ =	shalt  }
0x40: {  	_ =	shalt  }
0x41: {  	_ =	shalt  }
0x42: {  	_ =	shalt  }
0x43: {  	_ =	shalt  }
0x44: {  	_ =	shalt  }
0x45: {  	_ =	shalt  }
0x46: {  	_ =	shalt  }
0x47: {  	_ =	shalt  }
0x48: {  	_ =	shalt  }
0x49: {  	_ =	shalt  }
0x4a: {  	_ =	shalt  }
0x4b: {  	_ =	shalt  }
0x4c: {  	_ =	shalt  }
0x4d: {  	_ =	shalt  }
0x4e: {  	_ =	shalt  }
0x4f: {  	_ =	shalt  }
0x50: {  	_ =	shalt  }
0x51: {  	_ =	shalt  }
0x52: {  	_ =	shalt  }
0x53: {  	_ =	shalt  }
0x54: {  	_ =	shalt  }
0x55: {  	_ =	shalt  }
0x56: {  	_ =	shalt  }
0x57: {  	_ =	shalt  }
0x58: {  	_ =	shalt  }
0x59: {  	_ =	shalt  }
0x5a: {  	_ =	shalt  }
0x5b: {  	_ =	shalt  }
0x5c: {  	_ =	shalt  }
0x5d: {  	_ =	shalt  }
0x5e: {  	_ =	shalt  }
0x5f: {  	_ =	shalt  }
0x60: {  	_ =	shalt  }
0x61: {  	_ =	shalt  }
0x62: {  	_ =	shalt  }
0x63: {  	_ =	shalt  }
0x64: {  	_ =	shalt  }
0x65: {  	_ =	shalt  }
0x66: {  	_ =	shalt  }
0x67: {  	_ =	shalt  }
0x68: {  	_ =	shalt  }
0x69: {  	_ =	shalt  }
0x6a: {  	_ =	shalt  }
0x6b: {  	_ =	shalt  }
0x6c: {  	_ =	shalt  }
0x6d: {  	_ =	shalt  }
0x6e: {  	_ =	shalt  }
0x6f: {  	_ =	shalt  }
0x70: {  	_ =	shalt  }
0x71: {  	_ =	shalt  }
0x72: {  	_ =	shalt  }
0x73: {  	_ =	shalt  }
0x74: {  	_ =	shalt  }
0x75: {  	_ =	shalt  }
0x76: {  	_ =	shalt  }
0x77: {  	_ =	shalt  }
0x78: {  	_ =	shalt  }
0x79: {  	_ =	shalt  }
0x7a: {  	_ =	shalt  }
0x7b: {  	_ =	shalt  }
0x7c: {  	_ =	shalt  }
0x7d: {  	_ =	shalt  }
0x7e: {  	_ =	shalt  }
0x7f: {  	_ =	shalt  }
0x80: {  	_ =	shalt  }
0x81: {  	_ =	shalt  }
0x82: {  	_ =	shalt  }
0x83: {  	_ =	shalt  }
0x84: {  	_ =	shalt  }
0x85: {  	_ =	shalt  }
0x86: {  	_ =	shalt  }
0x87: {  	_ =	shalt  }
.Lfunc_end0:
.L_simem_size_0:
called_computation.1_lowered:
.L_overlay_start_0:
0x88: {  	s2 =	sld [smem:$0x3FD9]  }
0x89: {  	s3 =	sld [smem:$0x3FFE];
	_ =	sdelay $0x1  }
0x8a: {  	s1 =	srdreg.scid  }
0x8b: {  	s0 =	sand.u32 $0x1, s1  }
0x8c: {  	s16 =	sshll.u32 s0, $0xA;
	s2 =	sadd.s32 s3, s2  }
0x8d: {  	s2 =	sadd.s32 s2, s16  }
0x8e: {  	[smem:$0x3FBF] =	sst s2  }
0x8f: {  	_ = 	snop  }
0x90: {  	(tm) =	ssettm $0x1  }
0x91: {  	s17 =	sld [smem:$0x3FFB];
	_ =	sdelay $0x3  }
0x92: {  	_ =	strace s17  }
0x93: {  	s2 =	sld [smem:$0x3FFC];
	_ =	sdelay $0x3  }
0x94: {  	_ =	strace s2  }
0x95: {  	s2 =	sld [smem:$0x3FFD];
	_ =	sdelay $0x3  }
0x96: {  	_ =	strace s2  }
0x97: {  	_ =	strace $0x8FFFFFFF  }
0x98: {  	s18 =	sld [smem:$0x3FDB];
	_ =	sdelay $0x1  }
0x99: {  	s19 =	simm.s32 $_scs_section_size  }
0x9a: {  	s4 =	simm.s32 $_size__tile_overlayer_lowered;
	s5 =	simm.s32 $_tile_overlayer_lowered  }
0x9b: {  	s22 =	simm.s32 $0x1BFF;
	s21 =	sshll.u32 s5, $0x1;
	s2 =	sadd.s32 s19, s18  }
0x9c: {  	s6 =	simm.s32 $0x0;
	s20 =	sshll.u32 s4, $0x1;
	s4 =	sadd.s32 s21, s2  }
0x9d: {  	[timem:s6], [sflag:s22] =	dma.local [hbm:s4], s20  }
0x9e: {  	_ =	swait.ge [sflag:s22], s20  }
0x9f: {  	s3 =	ssub.s32 $0x0, s20;
	[sflag:s22] =	ssyncset.done $0x0  }
0xa0: {  	[sflag:s22] =	ssyncadd.s32 s3;
	_ =	sdelay $0x1  }
0xa1: {  	s23 =	simm.s32 $0x1B8B  }
0xa2: {  	_ =	swait.ge [sflag:s23], $0x1  }
0xa3: {  	[sflag:s23] =	ssyncset.done $0x0  }
0xa4: {  	s25 =	simm.s32 $0x1B8E;
	s24 =	sld [smem:$0x3FFE];
	[sflag:s23] =	ssyncadd.s32 $0xFFFFFFFF  }
0xa5: {  	s26 =	simm.s32 $execute0_lowered;
	[smem:$0x3FD2] =	sst s25  }
0xa6: {  	s4 =	sshll.u32 s26, $0x1;
	_ =	strace $0x80000049;
	[dreg:$0x1] =	wrdreg $0xFFFFFFFF  }
0xa7: {  	s28 =	simm.s32 $_size_execute0_lowered;
	s2 =	sadd.s32 s2, s4;
	[dreg:$0x0] =	wrdreg $0x0  }
0xa8: {  	s4 =	sshll.u32 s28, $0x1;
	[dreg:$0x2] =	wrdreg s2  }
0xa9: {  	[dreg:$0x3] =	wrdreg s4  }
0xaa: {  	[dreg:$0x4] =	wrdreg $0xC0  }
0xab: {  	_ =	task [dreg:s6], $0x5FFFF  }
0xac: {  	[dreg:$0x1] =	wrdreg $0xFFFFFFFF  }
0xad: {  	[dreg:$0x0] =	wrdreg $0x60  }
0xae: {  	[dreg:$0x2] =	wrdreg s24  }
0xaf: {  	[dreg:$0x3] =	wrdreg $0xC0000  }
0xb0: {  	[dreg:$0x4] =	wrdreg $0x9  }
0xb1: {  	_ =	task.clear_ibuf [dreg:s6], $0x5FFFF;
	_ =	strace $0x90000049  }
0xb2: {  	s29 =	simm.s32 $0x9;
	_ =	strace $0x8000004B  }
0xb3: {  	_ =	swait.ge [sflag:s29], $0x1  }
0xb4: {  	[sflag:s29] =	ssyncadd.s32 $0xFFFFFFFF  }
0xb5: {  	_ =	strace $0x9000004B  }
0xb6: {  	_ =	sfence  }
0xb7: {  	s30 =	sld [smem:$0x0];
	_ =	sdelay $0x2  }
0xb8: {  	s31 =	sshll.u32 s1, $0xD;
	s1 =	sshrl.u32 s1, $0x2  }
0xb9: {  	s3 =	sand.u32 $0x4000, s31;
	s1 =	sadd.s32 s1, s30  }
0xba: {  	s0 =	sor.u32 s3, s0;
	s1 =	sshll.u32 s1, $0x11  }
0xbb: {  	s0 =	sor.u32 s1, s0  }
0xbc: {  	s0 =	sadd.s32 $0x8F2B, s0  }
0xbd: {  	[sflag:s0] =	ssyncadd.remote.s32 $0x1  }
0xbe: {  	_ =	sfence.sel $0xFFFF  }
0xbf: {  	[dreg:$0x0] =	wrdreg $0xFFFFFFFF;
	(pc) =	sbr.abs _section_cstart, $3  }
0xc0: {  	[dreg:$0x1] =	wrdreg $0xFFFFFFFF  }
0xc1: {  	_ =	task.clear_ibuf [dreg:s6], $0x2FFFF;
	_ =	strace $0x9FFFFFFF  }
0xc2: {  	(tm) =	ssettm $0x7FFFFFFF  }
0xc3: {  	_ =	shalt  }
tec
execute0_lowered:
.L_overlay_start_1:
0x0: {  	(tag) =	ssettag $0x1  }
0x1: {  	s0 =	rddreg [dreg:$0x0]  }
0x2: {  	s2 =	rddreg [dreg:$0x1]  }
0x3: {  	s1 =	srdreg.scid;
	s11 =	stileid.u32  }
0x4: {  	s3 =	simm.s32 $0x0;
	s16 =	simm.s32 $0x5;
	s18 =	simm.s32 $0x40  }
0x5: {  	s22 =	simm.s32 $0xC0;
	s23 =	simm.s32 $0x4000;
	s24 =	simm.s32 $0x1  }
0x6: {  	s25 =	simm.s32 $0x2;
	s26 =	simm.s32 $0x3;
	s28 =	simm.s32 $0x0  }
0x7: {  	s1 =	sand.u32 $0x1, s1;
	s9 =	smul.u32 $0x13C00, s11;
	[smem:$0x7FF] =	sst s3  }
0x8: {  	s4 =	sadd.s32 $0xC00, s0;
	s5 =	sadd.s32 $0x1E600, s0;
	s6 =	sadd.s32 $0x14600, s0  }
0x9: {  	s7 =	smul.u32 $0x13C000, s1;
	s10 =	sshll.u32 s1, $0x4;
	s1 =	ssub.s32 $0x2, s1  }
0xa: {  	_ =	strace $0x8000004A;
	s12 =	sor.u32 s11, s10;
	s30 =	sshrl.u32 s1, $0x1  }
0xb: {  	s15 =	sadd.s32 s9, s2;
	s8 =	sadd.s32 s9, s7;
	s31 =	smul.u32 $0x500, s12  }
0xc: {  	s7 =	sadd.s32 $0x28600, s0;
	s1 =	ssub.s32 s1, s30;
	s12 =	smul.u32 $0x2800, s12  }
0xd: {  	s15 =	sshrl.u32 s15, $0x3;
	s8 =	sshrl.u32 s8, $0x3;
	s14 =	smax.u32 s1, $0x1  }
0xe: {  	s0 =	sadd.s32 s8, s0;
	s8 =	sshll.u32 s11, $0x6;
	s10 =	sadd.s32 s5, s31  }
0xf: {  	s11 =	sadd.s32 s6, s31;
	s9 =	sor.u32 $0x1C01, s8;
	s13 =	sadd.s32 $0x2AE00, s0  }
.LBB2_1:
0x10: {  	[spmem:s15], [sflag:s9] =	dma.local [hbm:s7], $0x2780  }
0x11: {  	[tilespmem:s3], [sflag:$0x5] =	stream.linear.gather [hbm4b:s10+s3], $0x400, $0x38;
	[tilespmem:$0x1FC00] =	vst v63  }
0x12: {  	_ =	swait.ge [sflag:s16], $0x400  }
0x13: {  	[sflag:s16] =	ssyncset.done $0x0  }
0x14: {  	s0 =	simm.s32 $0x800;
	[sflag:s16] =	ssyncadd.s32 $0xFFFFFC00  }
0x15: {  	[tilespmem:s0], [sflag:$0x5] =	stream.linear.gather [hbm4b:s11+s3], $0x400, $0x38;
	[tilespmem:$0x1FC00] =	vst v63  }
0x16: {  	_ =	swait.ge [sflag:s16], $0x400  }
0x17: {  	[sflag:s16] =	ssyncset.done $0x0  }
0x18: {  	s29 =	simm.s32 $0x1000;
	[sflag:s16] =	ssyncadd.s32 $0xFFFFFC00  }
0x19: {  	[tilespmem:s29], [sflag:$0x2] =	stream.indirect.gather [hbm4b:s4+s18], $0x40, s3, s18, $0xb8;
	[tilespmem:$0x1FC00] =	vst v63  }
0x1a: {  	s20 =	simm.s32 $0x2000  }
0x1b: {  	[tilespmem:s20], [sflag:$0x2] =	stream.indirect.gather [hbm4b:s4+s18], $0x40, s18, s18, $0xb8;
	[tilespmem:$0x1FC00] =	vst v63  }
0x1c: {  	s21 =	simm.s32 $0x80;
	s1 =	simm.s32 $0x3000  }
0x1d: {  	[tilespmem:s1], [sflag:$0x2] =	stream.indirect.gather [hbm4b:s4+s18], $0x40, s21, s18, $0xb8;
	[tilespmem:$0x1FC00] =	vst v63  }
0x1e: {  	_ = 	snop  }
0x1f: {  	[tilespmem:s23], [sflag:$0x2] =	stream.indirect.gather [hbm4b:s4+s18], $0x40, s22, s18, $0xb8;
	[tilespmem:$0x1FC00] =	vst v63  }
0x20: {  	_ =	swait.ge [sflag:s24], $0x2780  }
0x21: {  	[sflag:s24] =	ssyncset.done $0x0  }
0x22: {  	[sflag:s24] =	ssyncadd.s32 $0xFFFFD880  }
0x23: {  	s30 =	simm.s32 $0x6000;
	s31 =	simm.s32 $0x0;
	[bflag:$0x0] =	sbarrier.arrive $0xFFFF  }
.LBB2_2:
0x24: {  	s0 =	sand.u32 $0xF, s31;
	p0 =	sgt.u32 s31, $0x8F  }
0x25: {  	p1 =	sne.s32 @!p0 s0, $0x0  }
0x26: {  	p1 =	por p0, p1  }
.Ltmp0:
0x27: {  	_ = 	snop;
	(pc) =	sbr.rel @p1 .LBB2_4-.Ltmp0, $3  }
0x28: {  	_ =	sdelay $0x1  }
0x29: {  	s1 =	sshrl.u32 s31, $0x4  }
0x2a: {  	s1 =	sshll.u32 s1, $0xA  }
0x2b: {  	s17 =	sadd.s32 $0x400, s1  }
0x2c: {  	s19 =	sadd.s32 s12, s17  }
.Ltmp1:
0x2d: {  	s19 =	sshrl.u32 s19, $0x3;
	(pc) =	sbr.rel .LBB2_5-.Ltmp1, $4  }
0x2e: {  	s17 =	sand.u32 $0x400, s17;
	s20 =	sadd.s32 s5, s19  }
0x2f: {  	[tilespmem:s17], [sflag:$0x4] =	stream.linear.gather [hbm4b:s20+s3], $0x400, $0x38;
	[tilespmem:$0x1FC00] =	vst v63  }
0x30: {  	s19 =	sadd.s32 s6, s19;
	s17 =	sor.u32 $0x800, s17  }
0x31: {  	[tilespmem:s17], [sflag:$0x4] =	stream.linear.gather [hbm4b:s19+s3], $0x400, $0x38;
	[tilespmem:$0x1FC00] =	vst v63  }
.LBB2_4:
0x32: {  	p1 =	sne.s32 @!p0 s0, $0xB  }
0x33: {  	p0 =	por p1, p0  }
0x34: {  	s17 =	simm.s32 @!p0 $0x4  }
0x35: {  	_ =	swait.ge @!p0 [sflag:s17], $0x400  }
0x36: {  	[sflag:s17] =	ssyncset.done @!p0 $0x0  }
0x37: {  	[sflag:s17] =	ssyncadd.s32 @!p0 $0xFFFFFC00  }
0x38: {  	_ =	swait.ge @!p0 [sflag:s17], $0x400  }
0x39: {  	[sflag:s17] =	ssyncset.done @!p0 $0x0  }
0x3a: {  	[sflag:s17] =	ssyncadd.s32 @!p0 $0xFFFFFC00  }
.LBB2_5:
0x3b: {  	s19 =	smulhi.u32 $0xCCCCCCCD, s31  }
0x3c: {  	s17 =	smulhi.u32 $0xAAAAAAAB, s31;
	_ =	swait.ge [sflag:s25], $0x1000;
	p0 =	slt.u32 s31, $0x3  }
0x3d: {  	[sflag:s25] =	ssyncset.done $0x0;
	s20 =	simm.s32 @!p0 $0x3;
	s19 =	sshrl.u32 s19, $0x2  }
0x3e: {  	s17 =	sshrl.u32 s17, $0x1;
	[sflag:s25] =	ssyncadd.s32 $0xFFFFF000;
	s19 =	smul.u32 $0xFFFEC000, s19  }
0x3f: {  	s17 =	smul.u32 $0xFFFE8000, s17;
	_ =	swait.ge @!p0 [sflag:s20], $0x2000  }
0x40: {  	[sflag:s20] =	ssyncset.done @!p0 $0x0;
	s19 =	sshra.s32 s19, $0x2  }
0x41: {  	s21 =	sshra.s32 s17, $0x2;
	[sflag:s20] =	ssyncadd.s32 @!p0 $0xFFFFE000;
	s17 =	sadd.s32 s19, s29  }
0x42: {  	s20 =	sadd.s32 s21, s30;
	v1 =	vld [tilespmem:s17+$0x0]  }
0x43: {  	v0 =	vmov s20;
	_ =	sdelay $0x3  }
0x44: {  	s19 =	simm.s32 $0x0;
	v2 =	vshll.u32 v1, $0x10  }
0x45: {  	v1 =	vand.u32 $0xFFFF0000, v1;
	[tilespmem:v0+s19+$0x0 ss:$0x1] =	vst.idx.msk $0xffff, v2  }
0x46: {  	[tilespmem:v0+s19+$0x10 ss:$0x1] =	vst.idx.msk $0xffff, v1  }
0x47: {  	v1 =	vld [tilespmem:s17+$0x10];
	_ =	sdelay $0x4  }
0x48: {  	v2 =	vshll.u32 v1, $0x10  }
0x49: {  	v1 =	vand.u32 $0xFFFF0000, v1;
	[tilespmem:v0+s19+$0x20 ss:$0x1] =	vst.idx.msk $0xffff, v2  }
0x4a: {  	[tilespmem:v0+s19+$0x30 ss:$0x1] =	vst.idx.msk $0xffff, v1  }
0x4b: {  	v1 =	vld [tilespmem:s17+$0x20];
	_ =	sdelay $0x4  }
0x4c: {  	s21 =	smul.u32 $0xAB, s31;
	v2 =	vshll.u32 v1, $0x10  }
0x4d: {  	v1 =	vand.u32 $0xFFFF0000, v1;
	[tilespmem:v0+s19+$0x40 ss:$0x1] =	vst.idx.msk $0xffff, v2  }
0x4e: {  	s20 =	sshrl.u32 s21, $0x9;
	[tilespmem:v0+s19+$0x50 ss:$0x1] =	vst.idx.msk $0xffff, v1  }
0x4f: {  	s20 =	sand.u32 $0x7F, s20;
	v1 =	vld [tilespmem:s17+$0x30]  }
0x50: {  	s20 =	smul.u32 $0x3, s20;
	_ =	sdelay $0x1  }
0x51: {  	s20 =	ssub.s32 s31, s20  }
0x52: {  	s20 =	sand.u32 $0xFF, s20  }
0x53: {  	s20 =	sshll.u32 s20, $0xD;
	v2 =	vshll.u32 v1, $0x10  }
0x54: {  	s21 =	simm.s32 $0x200;
	s20 =	sadd.s32 $0x6000, s20;
	v1 =	vand.u32 $0xFFFF0000, v1;
	[tilespmem:v0+s19+$0x60 ss:$0x1] =	vst.idx.msk $0xffff, v2  }
.LBB2_6:
0x55: {  	p0 =	sne.s32 s21, $0x7E00  }
0x56: {  	[tilespmem:v0+s19+$0x70 ss:$0x1] =	vst.idx.msk $0xffff, v1;
	s17 =	sadd.s32 $0x40, s17;
	s19 =	smov.u32 s21;
	s21 =	sadd.s32 $0x200, s21  }
0x57: {  	v1 =	vld [tilespmem:s17+$0x0];
	_ =	sdelay $0x4  }
0x58: {  	s19 =	sshra.s32 s19, $0x2;
	v2 =	vshll.u32 v1, $0x10  }
0x59: {  	v1 =	vand.u32 $0xFFFF0000, v1;
	[tilespmem:v0+s19+$0x0 ss:$0x1] =	vst.idx.msk $0xffff, v2  }
0x5a: {  	[tilespmem:v0+s19+$0x10 ss:$0x1] =	vst.idx.msk $0xffff, v1  }
0x5b: {  	v1 =	vld [tilespmem:s17+$0x10];
	_ =	sdelay $0x4  }
0x5c: {  	v2 =	vshll.u32 v1, $0x10  }
0x5d: {  	v1 =	vand.u32 $0xFFFF0000, v1;
	[tilespmem:v0+s19+$0x20 ss:$0x1] =	vst.idx.msk $0xffff, v2  }
0x5e: {  	[tilespmem:v0+s19+$0x30 ss:$0x1] =	vst.idx.msk $0xffff, v1  }
0x5f: {  	v1 =	vld [tilespmem:s17+$0x20];
	_ =	sdelay $0x4  }
0x60: {  	v2 =	vshll.u32 v1, $0x10  }
0x61: {  	v1 =	vand.u32 $0xFFFF0000, v1;
	[tilespmem:v0+s19+$0x40 ss:$0x1] =	vst.idx.msk $0xffff, v2  }
0x62: {  	[tilespmem:v0+s19+$0x50 ss:$0x1] =	vst.idx.msk $0xffff, v1  }
0x63: {  	v1 =	vld [tilespmem:s17+$0x30];
	_ =	sdelay $0x1  }
.Ltmp2:
0x64: {  	(pc) =	sbr.rel @p0 .LBB2_6-.Ltmp2, $3  }
0x65: {  	_ =	sdelay $0x1  }
0x66: {  	v2 =	vshll.u32 v1, $0x10  }
0x67: {  	v1 =	vand.u32 $0xFFFF0000, v1;
	[tilespmem:v0+s19+$0x60 ss:$0x1] =	vst.idx.msk $0xffff, v2  }
0x68: {  	p0 =	sgt.u32 s31, $0x9B  }
0x69: {  	s17 =	sadd.s32 @!p0 $0x4, s31  }
0x6a: {  	s21 =	smul.u32 @!p0 $0xCD, s17;
	_ =	sdelay $0x1  }
0x6b: {  	s1 =	sand.u32 $0x400, s1;
	s0 =	sshll.u32 s0, $0x6;
	s21 =	sshrl.u32 @!p0 s21, $0xA  }
0x6c: {  	s0 =	sor.u32 s0, s1;
	s1 =	sand.u32 @!p0 $0x3F, s21  }
0x6d: {  	[tilespmem:v0+s19+$0x70 ss:$0x1] =	vst.idx.msk $0xffff, v1;
	s0 =	sor.u32 $0x800, s0;
	s1 =	smul.u32 @!p0 $0x5, s1  }
0x6e: {  	[spmem:s2] =	stream.indirect.scatter.add.f32 [tilespmem:s20], [sflag:$0x3], $0x80, s0, s18, $0xb8;
	[tilespmem:$0x1FC00] =	vst v63  }
0x6f: {  	s0 =	ssub.s32 @!p0 s17, s1  }
0x70: {  	s0 =	sand.u32 @!p0 $0xFF, s0  }
0x71: {  	s31 =	sadd.s32 $0x1, s31;
	s1 =	sshll.u32 @!p0 s17, $0x6;
	s0 =	sshll.u32 @!p0 s0, $0xC  }
0x72: {  	s17 =	simm.s32 @!p0 $0x40;
	s1 =	sand.u32 @!p0 $0x7C0, s1;
	s0 =	sadd.s32 @!p0 $0x1000, s0  }
0x73: {  	[tilespmem:s0], [sflag:$0x2] =	stream.indirect.gather @!p0 [hbm4b:s4+s17], $0x40, s1, s17, $0xb8;
	[tilespmem:$0x1FC00] =	vst v63  }
0x74: {  	p0 =	sne.s32 s31, $0xA0  }
.Ltmp3:
0x75: {  	_ = 	snop;
	(pc) =	sbr.rel @p0 .LBB2_2-.Ltmp3, $2  }
0x76: {  	_ =	sdelay $0x2  }
0x77: {  	s30 =	sadd.s32 $0x2000, s30;
	s29 =	sadd.s32 $0x1000, s29  }
0x78: {  	_ =	swait.ge [sflag:s26], $0x2000  }
0x79: {  	[sflag:s26] =	ssyncset.done $0x0  }
0x7a: {  	[sflag:s26] =	ssyncadd.s32 $0xFFFFE000  }
0x7b: {  	_ =	swait.ge [sflag:s26], $0x2000  }
0x7c: {  	[sflag:s26] =	ssyncset.done $0x0  }
0x7d: {  	[sflag:s26] =	ssyncadd.s32 $0xFFFFE000  }
0x7e: {  	_ =	swait.ge [sflag:s26], $0x2000  }
0x7f: {  	s28 =	sadd.s32 $0x1, s28;
	[sflag:s26] =	ssyncset.done $0x0  }
0x80: {  	p0 =	sne.s32 s28, s14;
	[sflag:s26] =	ssyncadd.s32 $0xFFFFE000  }
.Ltmp4:
0x81: {  	s0 =	sor.u32 $0x1C05, s8;
	[bflag:$0x0] =	sbarrier.arrive $0xFFFF;
	(pc) =	sbr.rel @p0 .LBB2_1-.Ltmp4, $4  }
0x82: {  	[hbm:s13], [sflag:s0] =	dma.local [spmem:s15], $0x2780  }
0x83: {  	_ =	swait.ge [sflag:s16], $0x2780  }
0x84: {  	[sflag:s16] =	ssyncset.done $0x0  }
0x85: {  	[sflag:s16] =	ssyncadd.s32 $0xFFFFD880  }
0x86: {  	_ =	sfence.sel $0x180000  }
0x87: {  	[bflag:$0x0] =	sbarrier.arrive $0xFFFF  }
0x88: {  	_ =	strace $0x9000004A  }
0x89: {  	s0 =	stileid.u32;
	[bflag:$0x2] =	sbarrier.arrive $0xFFFF  }
0x8a: {  	p0 =	sne.s32 s0, $0x0;
	s0 =	rddreg [dreg:$0x2]  }
0x8b: {  	s0 =	sadd.s32 @!p0 $0x100000, s0  }
0x8c: {  	[sflag:s0] =	ssyncadd.tile.s32 @!p0 $0x1;
	_ =	shalt  }
.Lfunc_end2:
_tile_overlayer_lowered:
.L_overlay_start_2:
0x8d: {  	(tag) =	ssettag $0x2  }
0x8e: {  	s0 =	rddreg [dreg:$0x0];
	s2 =	stileid.u32  }
0x8f: {  	s1 =	rddreg [dreg:$0x1];
	p0 =	sne.s32 s2, $0x0  }
0x90: {  	s3 =	rddreg [dreg:$0x2];
	[bflag:$0x3] =	sbarrier.arrive $0xFFFF;
	s2 =	simm.s32 @!p0 $0x1C05  }
0x91: {  	[timem:s3], [sflag:s2] =	dma.local @!p0 [hbm:s0], s1  }
0x92: {  	s0 =	simm.s32 @!p0 $0x5  }
0x93: {  	_ =	swait.ge @!p0 [sflag:s0], s1  }
0x94: {  	s1 =	ssub.s32 @!p0 $0x0, s1;
	[sflag:s0] =	ssyncset.done @!p0 $0x0  }
0x95: {  	[sflag:s0] =	ssyncadd.s32 @!p0 s1  }
0x96: {  	[bflag:$0x3] =	sbarrier.arrive $0xFFFF  }
0x97: {  	_ =	shalt  }

</sc_bundles>
